<compile_context>
chip_gen: v7x
topology: tpu7x:2x2x1
jax: 0.10.2.dev20260603
libtpu: 0.0.44.dev20260713+nightly
codegen_flags: <defaults>
</compile_context>

<pallas_src>
import functools

import jax
import jax.numpy as jnp
from jax import lax
from jax.experimental import pallas as pl
from jax.experimental.pallas import tpu as pltpu
from jax.experimental.pallas import tpu_sc as plsc

VOCAB = 1000000
EMBED_DIM = 64
OUTPUT_DIM = 2
BATCH = 4096
SEQ = 200

_PW = 16
_T_BLK = 32768
_NJ = 128 // _PW
_SUB = _T_BLK // _NJ
_SHIFT = _SUB.bit_length() - 1
_NB = (VOCAB + _T_BLK - 1) // _T_BLK

_INFO = plsc.get_sparse_core_info()
_NC = _INFO.num_cores
_NS = _INFO.num_subcores
_NW = _NC * _NS
_B_PER_W = BATCH // _NW
_K = 8


def _tc_tablew(tableT, Wp):

    def body(t_ref, w_ref, o_ref):
        acc = None
        for j in range(_NJ):
            part = lax.dot_general(
                t_ref[:, j * _SUB:(j + 1) * _SUB],
                w_ref[:, j * 128:(j + 1) * 128],
                (((0,), (0,)), ((), ())),
                preferred_element_type=jnp.float32,
            )
            acc = part if acc is None else acc + part
        o_ref[...] = acc

    return pl.pallas_call(
        body,
        grid=(_NB,),
        in_specs=[
            pl.BlockSpec((EMBED_DIM, _T_BLK), lambda i: (0, i)),
            pl.BlockSpec((EMBED_DIM, _NJ * 128), lambda i: (0, 0)),
        ],
        out_specs=pl.BlockSpec((_SUB, _NJ * _PW), lambda i: (i, 0)),
        out_shape=jax.ShapeDtypeStruct((_NB * _SUB, _NJ * _PW), jnp.float32),
    )(tableT, Wp)


def _sc_pooled(ids_t, tablew):
    mesh = plsc.VectorSubcoreMesh(core_axis_name="c", subcore_axis_name="s")

    @functools.partial(
        pl.kernel,
        mesh=mesh,
        out_type=jax.ShapeDtypeStruct((BATCH, _PW), jnp.float32),
        scratch_types=[
            pltpu.VMEM((SEQ, _B_PER_W), jnp.int32),
            pltpu.VMEM((_B_PER_W, _PW), jnp.float32),
            pltpu.SemaphoreType.DMA,
        ],
        compiler_params=pltpu.CompilerParams(use_tc_tiling_on_sc=False),
    )
    def k(ids_hbm, tab_hbm, out_hbm, idx_v, acc_v, sem):
        wid = lax.axis_index("s") * _NC + lax.axis_index("c")
        pltpu.sync_copy(ids_hbm.at[:, pl.ds(wid * _B_PER_W, _B_PER_W)], idx_v)

        def remap_body(r, carry):
            for g in range(_B_PER_W // 16):
                t = idx_v[r, pl.ds(g * 16, 16)]
                q = (
                    (t & ~(_T_BLK - 1))
                    + (t & (_SUB - 1)) * _NJ
                    + ((t >> _SHIFT) & (_NJ - 1))
                )
                idx_v[r, pl.ds(g * 16, 16)] = q
            return carry

        lax.fori_loop(0, SEQ, remap_body, 0)

        zero = jnp.zeros((16,), jnp.float32)

        def zero_body(i, carry):
            for d in range(_PW // 16):
                acc_v[i, pl.ds(d * 16, 16)] = zero
            return carry

        lax.fori_loop(0, _B_PER_W, zero_body, 0)

        def fire(r):
            return pltpu.async_copy(
                tab_hbm.at[idx_v.at[r]], acc_v, sem, add=True
            )

        for j in range(_K):
            fire(j)

        def chunk_body(i, carry):
            for j in range(_K):
                fire(i * _K + j)
            for j in range(_K):
                pltpu.make_async_copy(tab_hbm.at[idx_v.at[0]], acc_v, sem).wait()
            return carry

        lax.fori_loop(1, SEQ // _K, chunk_body, 0)
        for j in range(_K):
            pltpu.make_async_copy(tab_hbm.at[idx_v.at[0]], acc_v, sem).wait()

        pltpu.sync_copy(acc_v, out_hbm.at[pl.ds(wid * _B_PER_W, _B_PER_W)])

    return k(ids_t, tablew)


def _tc_out(pooled, b):

    def body(s_ref, b_ref, o_ref):
        o_ref[...] = s_ref[:, 0:OUTPUT_DIM] + b_ref[...]

    return pl.pallas_call(
        body,
        out_shape=jax.ShapeDtypeStruct((BATCH, OUTPUT_DIM), jnp.float32),
    )(pooled, b.reshape(1, OUTPUT_DIM))


@jax.jit
def kernel(ids, table, W, b):
    tableT = jnp.transpose(table)
    Ws = W * (1.0 / SEQ)
    Wbig = jnp.zeros((_NJ, EMBED_DIM, 128), jnp.float32)
    for j in range(_NJ):
        Wbig = Wbig.at[j, :, j * _PW:j * _PW + OUTPUT_DIM].set(Ws)
    Wbig = jnp.reshape(jnp.transpose(Wbig, (1, 0, 2)), (EMBED_DIM, _NJ * 128))
    tablew = _tc_tablew(tableT, Wbig)
    ids_t = jnp.transpose(ids.astype(jnp.int32))
    pooled = _sc_pooled(
        ids_t, jnp.reshape(tablew, (_NB * _SUB * _NJ, _PW))
    )
    return _tc_out(pooled, b)

# --- scband reference (transcript-rebuilt; emitter-appended) ---
"""Pipeline reference for scband-nbo-w-429496730308 (READ-ONLY COPY).

The authoritative reference and input builder live on the scoring server;
editing this copy changes nothing except your own understanding.
"""

import jax, jax.numpy as jnp
import numpy as np

VOCAB = 1000000
EMBED_DIM = 64
OUTPUT_DIM = 2
PAD_INDEX = 0
BATCH = 4096
SEQ = 200

def setup_inputs(seed: int = 0) -> dict:
    key = jax.random.key(seed)
    k_ids, k_tab, k_w, k_b = jax.random.split(key, 4)
    ids = jax.random.randint(k_ids, (BATCH, SEQ), 0, VOCAB, dtype=jnp.int64 if jax.config.jax_enable_x64 else jnp.int32)
    table = jax.random.normal(k_tab, (VOCAB, EMBED_DIM), dtype=jnp.float32)
    # padding_idx row is zero-initialized in torch nn.Embedding
    table = table.at[PAD_INDEX].set(0.0)
    W = jax.random.normal(k_w, (EMBED_DIM, OUTPUT_DIM), dtype=jnp.float32) * (1.0 / np.sqrt(EMBED_DIM))
    b = jnp.zeros((OUTPUT_DIM,), dtype=jnp.float32)
    return {"ids": ids, "table": table, "W": W, "b": b}

def reference(ids, table, W, b):
    embedded = jnp.take(table, ids, axis=0)           # [B, L, D] gather
    pooled = jnp.mean(embedded, axis=1)               # [B, D]
    prediction = pooled @ W + b                        # [B, output_dim]
    return prediction

if __name__ == "__main__":
    import jax
    _d = setup_inputs()
    print(jax.jit(kernel)(*tuple(_d.values())))

</pallas_src>

<mosaic_0001>
#map = affine_map<(d0, d1) -> (0, 0)>
module attributes {stable_mosaic.version = 14 : i64} {
  func.func @k(%arg0: i32, %arg1: i32, %arg2: memref<200x4096xi32, #tpu.memory_space<hbm>>, %arg3: memref<1015808x16xf32, #tpu.memory_space<hbm>>, %arg4: memref<4096x16xf32, #tpu.memory_space<hbm>>, %arg5: memref<200x128xi32, #tpu.memory_space<vmem>>, %arg6: memref<128x16xf32, #tpu.memory_space<vmem>>, %arg7: memref<!tpu.dma_semaphore, #tpu.memory_space<semaphore_mem>>) attributes {dimension_semantics = [#tpu.dimension_semantics<core_parallel>, #tpu.dimension_semantics<subcore_parallel>], iteration_bounds = array<i64: 2, 16>, scalar_prefetch = 0 : i64, scratch_operands = 3 : i64, tpu.core_type = #tpu.core_type<sc_vector_subcore>, window_params = [{transform_indices = #map}, {transform_indices = #map}, {transform_indices = #map}]} {
    %mul3A = arith.constant 2 : i32
    %mul3A_0 = arith.muli %arg1, %mul3A : i32
    %add3A = arith.addi %mul3A_0, %arg0 : i32
    %mul3A_1 = arith.constant 128 : i32
    %mul3A_2 = arith.muli %add3A, %mul3A_1 : i32
    "tpu.region"() ({
      %run_scoped3A = tpu.sem_alloc : memref<!tpu.dma_semaphore, #tpu.memory_space<semaphore_mem>>
      %dma_start3A_133 = arith.constant 0 : i32
      %dma_start3A_134 = tpu.memref_slice %arg2[%dma_start3A_133, %mul3A_2] : memref<200x4096xi32, #tpu.memory_space<hbm>> -> memref<200x128xi32, #tpu.memory_space<hbm>>
      %dma_start3A_135 = arith.constant 0 : i32
      %dma_start3A_136 = tpu.memref_slice %arg2[%dma_start3A_135, %mul3A_2] : memref<200x4096xi32, #tpu.memory_space<hbm>> -> memref<200x128xi32, #tpu.memory_space<hbm>>
      tpu.enqueue_dma source(%dma_start3A_136 : memref<200x128xi32, #tpu.memory_space<hbm>>) target(%arg5 : memref<200x128xi32, #tpu.memory_space<vmem>>) target_semaphore(%run_scoped3A : memref<!tpu.dma_semaphore, #tpu.memory_space<semaphore_mem>>)
      %dma_wait3A_137 = arith.constant 0 : i32
      %dma_wait3A_138 = tpu.memref_slice %arg2[%dma_wait3A_137, %mul3A_2] : memref<200x4096xi32, #tpu.memory_space<hbm>> -> memref<200x128xi32, #tpu.memory_space<hbm>>
      %dma_wait3A_139 = arith.constant 0 : i32
      %dma_wait3A_140 = tpu.memref_slice %arg2[%dma_wait3A_139, %mul3A_2] : memref<200x4096xi32, #tpu.memory_space<hbm>> -> memref<200x128xi32, #tpu.memory_space<hbm>>
      tpu.wait_dma2 semaphore(%run_scoped3A : memref<!tpu.dma_semaphore, #tpu.memory_space<semaphore_mem>>) src(%dma_wait3A_140 : memref<200x128xi32, #tpu.memory_space<hbm>>) dst(%arg5 : memref<200x128xi32, #tpu.memory_space<vmem>>)
      tpu.yield
    }) : () -> ()
    %scan3A = arith.constant 0 : i32
    %scan3A_3 = arith.constant 0 : i32
    %scan3A_4 = arith.constant 200 : i32
    %scan3A_5 = arith.addi %scan3A_3, %scan3A_4 : i32
    %scan3A_6 = arith.constant 1 : i32
    scf.for %scan3A_133 = %scan3A_3 to %scan3A_5 step %scan3A_6  : i32 {
      %get3A = arith.index_cast %scan3A_133 : i32 to index
      %get3A_134 = arith.constant 0 : index
      %get3A_135 = tpu.vector_load %arg5[%get3A, %get3A_134] {strides = array<i32>} : memref<200x128xi32, #tpu.memory_space<vmem>>, vector<1x16xi32>,
      %get3A_136 = vector.shape_cast %get3A_135 : vector<1x16xi32> to vector<16xi32>
      %and3A = arith.constant -32768 : i32
      %and3A_137 = vector.broadcast %and3A : i32 to vector<16xi32>
      %and3A_138 = arith.andi %get3A_136, %and3A_137 : vector<16xi32>
      %and3A_139 = arith.constant 4095 : i32
      %and3A_140 = vector.broadcast %and3A_139 : i32 to vector<16xi32>
      %and3A_141 = arith.andi %get3A_136, %and3A_140 : vector<16xi32>
      %mul3A_142 = arith.constant 8 : i32
      %mul3A_143 = vector.broadcast %mul3A_142 : i32 to vector<16xi32>
      %mul3A_144 = arith.muli %and3A_141, %mul3A_143 : vector<16xi32>
      %add3A_145 = arith.addi %and3A_138, %mul3A_144 : vector<16xi32>
      %shift_right_arithmetic3A = arith.constant 12 : i32
      %shift_right_arithmetic3A_146 = vector.broadcast %shift_right_arithmetic3A : i32 to vector<16xi32>
      %shift_right_arithmetic3A_147 = arith.shrsi %get3A_136, %shift_right_arithmetic3A_146 : vector<16xi32>
      %and3A_148 = arith.constant 7 : i32
      %and3A_149 = vector.broadcast %and3A_148 : i32 to vector<16xi32>
      %and3A_150 = arith.andi %shift_right_arithmetic3A_147, %and3A_149 : vector<16xi32>
      %add3A_151 = arith.addi %add3A_145, %and3A_150 : vector<16xi32>
      %swap3A = arith.index_cast %scan3A_133 : i32 to index
      %swap3A_152 = arith.constant 0 : index
      %swap3A_153 = tpu.vector_load %arg5[%swap3A, %swap3A_152] {strides = array<i32>} : memref<200x128xi32, #tpu.memory_space<vmem>>, vector<1x16xi32>,
      %swap3A_154 = vector.shape_cast %swap3A_153 : vector<1x16xi32> to vector<16xi32>
      %swap3A_155 = vector.shape_cast %add3A_151 : vector<16xi32> to vector<1x16xi32>
      tpu.vector_store %arg5[%swap3A, %swap3A_152], %swap3A_155 {strides = array<i32>} : memref<200x128xi32, #tpu.memory_space<vmem>>, vector<1x16xi32>,
      %get3A_156 = arith.index_cast %scan3A_133 : i32 to index
      %get3A_157 = arith.constant 16 : index
      %get3A_158 = tpu.vector_load %arg5[%get3A_156, %get3A_157] {strides = array<i32>} : memref<200x128xi32, #tpu.memory_space<vmem>>, vector<1x16xi32>,
      %get3A_159 = vector.shape_cast %get3A_158 : vector<1x16xi32> to vector<16xi32>
      %and3A_160 = arith.constant -32768 : i32
      %and3A_161 = vector.broadcast %and3A_160 : i32 to vector<16xi32>
      %and3A_162 = arith.andi %get3A_159, %and3A_161 : vector<16xi32>
      %and3A_163 = arith.constant 4095 : i32
      %and3A_164 = vector.broadcast %and3A_163 : i32 to vector<16xi32>
      %and3A_165 = arith.andi %get3A_159, %and3A_164 : vector<16xi32>
      %mul3A_166 = arith.constant 8 : i32
      %mul3A_167 = vector.broadcast %mul3A_166 : i32 to vector<16xi32>
      %mul3A_168 = arith.muli %and3A_165, %mul3A_167 : vector<16xi32>
      %add3A_169 = arith.addi %and3A_162, %mul3A_168 : vector<16xi32>
      %shift_right_arithmetic3A_170 = arith.constant 12 : i32
      %shift_right_arithmetic3A_171 = vector.broadcast %shift_right_arithmetic3A_170 : i32 to vector<16xi32>
      %shift_right_arithmetic3A_172 = arith.shrsi %get3A_159, %shift_right_arithmetic3A_171 : vector<16xi32>
      %and3A_173 = arith.constant 7 : i32
      %and3A_174 = vector.broadcast %and3A_173 : i32 to vector<16xi32>
      %and3A_175 = arith.andi %shift_right_arithmetic3A_172, %and3A_174 : vector<16xi32>
      %add3A_176 = arith.addi %add3A_169, %and3A_175 : vector<16xi32>
      %swap3A_177 = arith.index_cast %scan3A_133 : i32 to index
      %swap3A_178 = arith.constant 16 : index
      %swap3A_179 = tpu.vector_load %arg5[%swap3A_177, %swap3A_178] {strides = array<i32>} : memref<200x128xi32, #tpu.memory_space<vmem>>, vector<1x16xi32>,
      %swap3A_180 = vector.shape_cast %swap3A_179 : vector<1x16xi32> to vector<16xi32>
      %swap3A_181 = vector.shape_cast %add3A_176 : vector<16xi32> to vector<1x16xi32>
      tpu.vector_store %arg5[%swap3A_177, %swap3A_178], %swap3A_181 {strides = array<i32>} : memref<200x128xi32, #tpu.memory_space<vmem>>, vector<1x16xi32>,
      %get3A_182 = arith.index_cast %scan3A_133 : i32 to index
      %get3A_183 = arith.constant 32 : index
      %get3A_184 = tpu.vector_load %arg5[%get3A_182, %get3A_183] {strides = array<i32>} : memref<200x128xi32, #tpu.memory_space<vmem>>, vector<1x16xi32>,
      %get3A_185 = vector.shape_cast %get3A_184 : vector<1x16xi32> to vector<16xi32>
      %and3A_186 = arith.constant -32768 : i32
      %and3A_187 = vector.broadcast %and3A_186 : i32 to vector<16xi32>
      %and3A_188 = arith.andi %get3A_185, %and3A_187 : vector<16xi32>
      %and3A_189 = arith.constant 4095 : i32
      %and3A_190 = vector.broadcast %and3A_189 : i32 to vector<16xi32>
      %and3A_191 = arith.andi %get3A_185, %and3A_190 : vector<16xi32>
      %mul3A_192 = arith.constant 8 : i32
      %mul3A_193 = vector.broadcast %mul3A_192 : i32 to vector<16xi32>
      %mul3A_194 = arith.muli %and3A_191, %mul3A_193 : vector<16xi32>
      %add3A_195 = arith.addi %and3A_188, %mul3A_194 : vector<16xi32>
      %shift_right_arithmetic3A_196 = arith.constant 12 : i32
      %shift_right_arithmetic3A_197 = vector.broadcast %shift_right_arithmetic3A_196 : i32 to vector<16xi32>
      %shift_right_arithmetic3A_198 = arith.shrsi %get3A_185, %shift_right_arithmetic3A_197 : vector<16xi32>
      %and3A_199 = arith.constant 7 : i32
      %and3A_200 = vector.broadcast %and3A_199 : i32 to vector<16xi32>
      %and3A_201 = arith.andi %shift_right_arithmetic3A_198, %and3A_200 : vector<16xi32>
      %add3A_202 = arith.addi %add3A_195, %and3A_201 : vector<16xi32>
      %swap3A_203 = arith.index_cast %scan3A_133 : i32 to index
      %swap3A_204 = arith.constant 32 : index
      %swap3A_205 = tpu.vector_load %arg5[%swap3A_203, %swap3A_204] {strides = array<i32>} : memref<200x128xi32, #tpu.memory_space<vmem>>, vector<1x16xi32>,
      %swap3A_206 = vector.shape_cast %swap3A_205 : vector<1x16xi32> to vector<16xi32>
      %swap3A_207 = vector.shape_cast %add3A_202 : vector<16xi32> to vector<1x16xi32>
      tpu.vector_store %arg5[%swap3A_203, %swap3A_204], %swap3A_207 {strides = array<i32>} : memref<200x128xi32, #tpu.memory_space<vmem>>, vector<1x16xi32>,
      %get3A_208 = arith.index_cast %scan3A_133 : i32 to index
      %get3A_209 = arith.constant 48 : index
      %get3A_210 = tpu.vector_load %arg5[%get3A_208, %get3A_209] {strides = array<i32>} : memref<200x128xi32, #tpu.memory_space<vmem>>, vector<1x16xi32>,
      %get3A_211 = vector.shape_cast %get3A_210 : vector<1x16xi32> to vector<16xi32>
      %and3A_212 = arith.constant -32768 : i32
      %and3A_213 = vector.broadcast %and3A_212 : i32 to vector<16xi32>
      %and3A_214 = arith.andi %get3A_211, %and3A_213 : vector<16xi32>
      %and3A_215 = arith.constant 4095 : i32
      %and3A_216 = vector.broadcast %and3A_215 : i32 to vector<16xi32>
      %and3A_217 = arith.andi %get3A_211, %and3A_216 : vector<16xi32>
      %mul3A_218 = arith.constant 8 : i32
      %mul3A_219 = vector.broadcast %mul3A_218 : i32 to vector<16xi32>
      %mul3A_220 = arith.muli %and3A_217, %mul3A_219 : vector<16xi32>
      %add3A_221 = arith.addi %and3A_214, %mul3A_220 : vector<16xi32>
      %shift_right_arithmetic3A_222 = arith.constant 12 : i32
      %shift_right_arithmetic3A_223 = vector.broadcast %shift_right_arithmetic3A_222 : i32 to vector<16xi32>
      %shift_right_arithmetic3A_224 = arith.shrsi %get3A_211, %shift_right_arithmetic3A_223 : vector<16xi32>
      %and3A_225 = arith.constant 7 : i32
      %and3A_226 = vector.broadcast %and3A_225 : i32 to vector<16xi32>
      %and3A_227 = arith.andi %shift_right_arithmetic3A_224, %and3A_226 : vector<16xi32>
      %add3A_228 = arith.addi %add3A_221, %and3A_227 : vector<16xi32>
      %swap3A_229 = arith.index_cast %scan3A_133 : i32 to index
      %swap3A_230 = arith.constant 48 : index
      %swap3A_231 = tpu.vector_load %arg5[%swap3A_229, %swap3A_230] {strides = array<i32>} : memref<200x128xi32, #tpu.memory_space<vmem>>, vector<1x16xi32>,
      %swap3A_232 = vector.shape_cast %swap3A_231 : vector<1x16xi32> to vector<16xi32>
      %swap3A_233 = vector.shape_cast %add3A_228 : vector<16xi32> to vector<1x16xi32>
      tpu.vector_store %arg5[%swap3A_229, %swap3A_230], %swap3A_233 {strides = array<i32>} : memref<200x128xi32, #tpu.memory_space<vmem>>, vector<1x16xi32>,
      %get3A_234 = arith.index_cast %scan3A_133 : i32 to index
      %get3A_235 = arith.constant 64 : index
      %get3A_236 = tpu.vector_load %arg5[%get3A_234, %get3A_235] {strides = array<i32>} : memref<200x128xi32, #tpu.memory_space<vmem>>, vector<1x16xi32>,
      %get3A_237 = vector.shape_cast %get3A_236 : vector<1x16xi32> to vector<16xi32>
      %and3A_238 = arith.constant -32768 : i32
      %and3A_239 = vector.broadcast %and3A_238 : i32 to vector<16xi32>
      %and3A_240 = arith.andi %get3A_237, %and3A_239 : vector<16xi32>
      %and3A_241 = arith.constant 4095 : i32
      %and3A_242 = vector.broadcast %and3A_241 : i32 to vector<16xi32>
      %and3A_243 = arith.andi %get3A_237, %and3A_242 : vector<16xi32>
      %mul3A_244 = arith.constant 8 : i32
      %mul3A_245 = vector.broadcast %mul3A_244 : i32 to vector<16xi32>
      %mul3A_246 = arith.muli %and3A_243, %mul3A_245 : vector<16xi32>
      %add3A_247 = arith.addi %and3A_240, %mul3A_246 : vector<16xi32>
      %shift_right_arithmetic3A_248 = arith.constant 12 : i32
      %shift_right_arithmetic3A_249 = vector.broadcast %shift_right_arithmetic3A_248 : i32 to vector<16xi32>
      %shift_right_arithmetic3A_250 = arith.shrsi %get3A_237, %shift_right_arithmetic3A_249 : vector<16xi32>
      %and3A_251 = arith.constant 7 : i32
      %and3A_252 = vector.broadcast %and3A_251 : i32 to vector<16xi32>
      %and3A_253 = arith.andi %shift_right_arithmetic3A_250, %and3A_252 : vector<16xi32>
      %add3A_254 = arith.addi %add3A_247, %and3A_253 : vector<16xi32>
      %swap3A_255 = arith.index_cast %scan3A_133 : i32 to index
      %swap3A_256 = arith.constant 64 : index
      %swap3A_257 = tpu.vector_load %arg5[%swap3A_255, %swap3A_256] {strides = array<i32>} : memref<200x128xi32, #tpu.memory_space<vmem>>, vector<1x16xi32>,
      %swap3A_258 = vector.shape_cast %swap3A_257 : vector<1x16xi32> to vector<16xi32>
      %swap3A_259 = vector.shape_cast %add3A_254 : vector<16xi32> to vector<1x16xi32>
      tpu.vector_store %arg5[%swap3A_255, %swap3A_256], %swap3A_259 {strides = array<i32>} : memref<200x128xi32, #tpu.memory_space<vmem>>, vector<1x16xi32>,
      %get3A_260 = arith.index_cast %scan3A_133 : i32 to index
      %get3A_261 = arith.constant 80 : index
      %get3A_262 = tpu.vector_load %arg5[%get3A_260, %get3A_261] {strides = array<i32>} : memref<200x128xi32, #tpu.memory_space<vmem>>, vector<1x16xi32>,
      %get3A_263 = vector.shape_cast %get3A_262 : vector<1x16xi32> to vector<16xi32>
      %and3A_264 = arith.constant -32768 : i32
      %and3A_265 = vector.broadcast %and3A_264 : i32 to vector<16xi32>
      %and3A_266 = arith.andi %get3A_263, %and3A_265 : vector<16xi32>
      %and3A_267 = arith.constant 4095 : i32
      %and3A_268 = vector.broadcast %and3A_267 : i32 to vector<16xi32>
      %and3A_269 = arith.andi %get3A_263, %and3A_268 : vector<16xi32>
      %mul3A_270 = arith.constant 8 : i32
      %mul3A_271 = vector.broadcast %mul3A_270 : i32 to vector<16xi32>
      %mul3A_272 = arith.muli %and3A_269, %mul3A_271 : vector<16xi32>
      %add3A_273 = arith.addi %and3A_266, %mul3A_272 : vector<16xi32>
      %shift_right_arithmetic3A_274 = arith.constant 12 : i32
      %shift_right_arithmetic3A_275 = vector.broadcast %shift_right_arithmetic3A_274 : i32 to vector<16xi32>
      %shift_right_arithmetic3A_276 = arith.shrsi %get3A_263, %shift_right_arithmetic3A_275 : vector<16xi32>
      %and3A_277 = arith.constant 7 : i32
      %and3A_278 = vector.broadcast %and3A_277 : i32 to vector<16xi32>
      %and3A_279 = arith.andi %shift_right_arithmetic3A_276, %and3A_278 : vector<16xi32>
      %add3A_280 = arith.addi %add3A_273, %and3A_279 : vector<16xi32>
      %swap3A_281 = arith.index_cast %scan3A_133 : i32 to index
      %swap3A_282 = arith.constant 80 : index
      %swap3A_283 = tpu.vector_load %arg5[%swap3A_281, %swap3A_282] {strides = array<i32>} : memref<200x128xi32, #tpu.memory_space<vmem>>, vector<1x16xi32>,
      %swap3A_284 = vector.shape_cast %swap3A_283 : vector<1x16xi32> to vector<16xi32>
      %swap3A_285 = vector.shape_cast %add3A_280 : vector<16xi32> to vector<1x16xi32>
      tpu.vector_store %arg5[%swap3A_281, %swap3A_282], %swap3A_285 {strides = array<i32>} : memref<200x128xi32, #tpu.memory_space<vmem>>, vector<1x16xi32>,
      %get3A_286 = arith.index_cast %scan3A_133 : i32 to index
      %get3A_287 = arith.constant 96 : index
      %get3A_288 = tpu.vector_load %arg5[%get3A_286, %get3A_287] {strides = array<i32>} : memref<200x128xi32, #tpu.memory_space<vmem>>, vector<1x16xi32>,
      %get3A_289 = vector.shape_cast %get3A_288 : vector<1x16xi32> to vector<16xi32>
      %and3A_290 = arith.constant -32768 : i32
      %and3A_291 = vector.broadcast %and3A_290 : i32 to vector<16xi32>
      %and3A_292 = arith.andi %get3A_289, %and3A_291 : vector<16xi32>
      %and3A_293 = arith.constant 4095 : i32
      %and3A_294 = vector.broadcast %and3A_293 : i32 to vector<16xi32>
      %and3A_295 = arith.andi %get3A_289, %and3A_294 : vector<16xi32>
      %mul3A_296 = arith.constant 8 : i32
      %mul3A_297 = vector.broadcast %mul3A_296 : i32 to vector<16xi32>
      %mul3A_298 = arith.muli %and3A_295, %mul3A_297 : vector<16xi32>
      %add3A_299 = arith.addi %and3A_292, %mul3A_298 : vector<16xi32>
      %shift_right_arithmetic3A_300 = arith.constant 12 : i32
      %shift_right_arithmetic3A_301 = vector.broadcast %shift_right_arithmetic3A_300 : i32 to vector<16xi32>
      %shift_right_arithmetic3A_302 = arith.shrsi %get3A_289, %shift_right_arithmetic3A_301 : vector<16xi32>
      %and3A_303 = arith.constant 7 : i32
      %and3A_304 = vector.broadcast %and3A_303 : i32 to vector<16xi32>
      %and3A_305 = arith.andi %shift_right_arithmetic3A_302, %and3A_304 : vector<16xi32>
      %add3A_306 = arith.addi %add3A_299, %and3A_305 : vector<16xi32>
      %swap3A_307 = arith.index_cast %scan3A_133 : i32 to index
      %swap3A_308 = arith.constant 96 : index
      %swap3A_309 = tpu.vector_load %arg5[%swap3A_307, %swap3A_308] {strides = array<i32>} : memref<200x128xi32, #tpu.memory_space<vmem>>, vector<1x16xi32>,
      %swap3A_310 = vector.shape_cast %swap3A_309 : vector<1x16xi32> to vector<16xi32>
      %swap3A_311 = vector.shape_cast %add3A_306 : vector<16xi32> to vector<1x16xi32>
      tpu.vector_store %arg5[%swap3A_307, %swap3A_308], %swap3A_311 {strides = array<i32>} : memref<200x128xi32, #tpu.memory_space<vmem>>, vector<1x16xi32>,
      %get3A_312 = arith.index_cast %scan3A_133 : i32 to index
      %get3A_313 = arith.constant 112 : index
      %get3A_314 = tpu.vector_load %arg5[%get3A_312, %get3A_313] {strides = array<i32>} : memref<200x128xi32, #tpu.memory_space<vmem>>, vector<1x16xi32>,
      %get3A_315 = vector.shape_cast %get3A_314 : vector<1x16xi32> to vector<16xi32>
      %and3A_316 = arith.constant -32768 : i32
      %and3A_317 = vector.broadcast %and3A_316 : i32 to vector<16xi32>
      %and3A_318 = arith.andi %get3A_315, %and3A_317 : vector<16xi32>
      %and3A_319 = arith.constant 4095 : i32
      %and3A_320 = vector.broadcast %and3A_319 : i32 to vector<16xi32>
      %and3A_321 = arith.andi %get3A_315, %and3A_320 : vector<16xi32>
      %mul3A_322 = arith.constant 8 : i32
      %mul3A_323 = vector.broadcast %mul3A_322 : i32 to vector<16xi32>
      %mul3A_324 = arith.muli %and3A_321, %mul3A_323 : vector<16xi32>
      %add3A_325 = arith.addi %and3A_318, %mul3A_324 : vector<16xi32>
      %shift_right_arithmetic3A_326 = arith.constant 12 : i32
      %shift_right_arithmetic3A_327 = vector.broadcast %shift_right_arithmetic3A_326 : i32 to vector<16xi32>
      %shift_right_arithmetic3A_328 = arith.shrsi %get3A_315, %shift_right_arithmetic3A_327 : vector<16xi32>
      %and3A_329 = arith.constant 7 : i32
      %and3A_330 = vector.broadcast %and3A_329 : i32 to vector<16xi32>
      %and3A_331 = arith.andi %shift_right_arithmetic3A_328, %and3A_330 : vector<16xi32>
      %add3A_332 = arith.addi %add3A_325, %and3A_331 : vector<16xi32>
      %swap3A_333 = arith.index_cast %scan3A_133 : i32 to index
      %swap3A_334 = arith.constant 112 : index
      %swap3A_335 = tpu.vector_load %arg5[%swap3A_333, %swap3A_334] {strides = array<i32>} : memref<200x128xi32, #tpu.memory_space<vmem>>, vector<1x16xi32>,
      %swap3A_336 = vector.shape_cast %swap3A_335 : vector<1x16xi32> to vector<16xi32>
      %swap3A_337 = vector.shape_cast %add3A_332 : vector<16xi32> to vector<1x16xi32>
      tpu.vector_store %arg5[%swap3A_333, %swap3A_334], %swap3A_337 {strides = array<i32>} : memref<200x128xi32, #tpu.memory_space<vmem>>, vector<1x16xi32>,
    }
    %scan3A_7 = arith.constant 200 : i32
    %broadcast_in_dim3A = arith.constant 0.000000e+00 : f32
    %broadcast_in_dim3A_8 = vector.broadcast %broadcast_in_dim3A : f32 to vector<16xf32>
    %scan3A_9 = arith.constant 0 : i32
    %scan3A_10 = arith.constant 0 : i32
    %scan3A_11 = arith.constant 128 : i32
    %scan3A_12 = arith.addi %scan3A_10, %scan3A_11 : i32
    %scan3A_13 = arith.constant 1 : i32
    scf.for %scan3A_133 = %scan3A_10 to %scan3A_12 step %scan3A_13  : i32 {
      %swap3A = arith.index_cast %scan3A_133 : i32 to index
      %swap3A_134 = arith.constant 0 : index
      %swap3A_135 = tpu.vector_load %arg6[%swap3A, %swap3A_134] {strides = array<i32>} : memref<128x16xf32, #tpu.memory_space<vmem>>, vector<1x16xf32>,
      %swap3A_136 = vector.shape_cast %swap3A_135 : vector<1x16xf32> to vector<16xf32>
      %swap3A_137 = vector.shape_cast %broadcast_in_dim3A_8 : vector<16xf32> to vector<1x16xf32>
      tpu.vector_store %arg6[%swap3A, %swap3A_134], %swap3A_137 {strides = array<i32>} : memref<128x16xf32, #tpu.memory_space<vmem>>, vector<1x16xf32>,
    }
    %scan3A_14 = arith.constant 128 : i32
    %dma_start3A = arith.constant 0 : i32
    %dma_start3A_15 = arith.constant 0 : i32
    %dma_start3A_16 = tpu.memref_slice %arg5[%dma_start3A, %dma_start3A_15] : memref<200x128xi32, #tpu.memory_space<vmem>> -> memref<1x128xi32, #tpu.memory_space<vmem>>
    %dma_start3A_17 = tpu.memref_squeeze %dma_start3A_16 : memref<1x128xi32, #tpu.memory_space<vmem>> -> memref<128xi32, #tpu.memory_space<vmem>>
    %dma_start3A_18 = arith.constant 0 : i32
    %dma_start3A_19 = arith.constant 0 : i32
    %dma_start3A_20 = tpu.memref_slice %arg3[%dma_start3A_18, %dma_start3A_19] : memref<1015808x16xf32, #tpu.memory_space<hbm>> -> memref<1015808x16xf32, #tpu.memory_space<hbm>>
    tpu.enqueue_indirect_dma source(%dma_start3A_20 : memref<1015808x16xf32, #tpu.memory_space<hbm>>) target(%arg6 : memref<128x16xf32, #tpu.memory_space<vmem>>) offsets(%dma_start3A_17 : memref<128xi32, #tpu.memory_space<vmem>>) semaphore(%arg7 : memref<!tpu.dma_semaphore, #tpu.memory_space<semaphore_mem>>) {add = true}
    %dma_start3A_21 = arith.constant 1 : i32
    %dma_start3A_22 = arith.constant 0 : i32
    %dma_start3A_23 = tpu.memref_slice %arg5[%dma_start3A_21, %dma_start3A_22] : memref<200x128xi32, #tpu.memory_space<vmem>> -> memref<1x128xi32, #tpu.memory_space<vmem>>
    %dma_start3A_24 = tpu.memref_squeeze %dma_start3A_23 : memref<1x128xi32, #tpu.memory_space<vmem>> -> memref<128xi32, #tpu.memory_space<vmem>>
    %dma_start3A_25 = arith.constant 0 : i32
    %dma_start3A_26 = arith.constant 0 : i32
    %dma_start3A_27 = tpu.memref_slice %arg3[%dma_start3A_25, %dma_start3A_26] : memref<1015808x16xf32, #tpu.memory_space<hbm>> -> memref<1015808x16xf32, #tpu.memory_space<hbm>>
    tpu.enqueue_indirect_dma source(%dma_start3A_27 : memref<1015808x16xf32, #tpu.memory_space<hbm>>) target(%arg6 : memref<128x16xf32, #tpu.memory_space<vmem>>) offsets(%dma_start3A_24 : memref<128xi32, #tpu.memory_space<vmem>>) semaphore(%arg7 : memref<!tpu.dma_semaphore, #tpu.memory_space<semaphore_mem>>) {add = true}
    %dma_start3A_28 = arith.constant 2 : i32
    %dma_start3A_29 = arith.constant 0 : i32
    %dma_start3A_30 = tpu.memref_slice %arg5[%dma_start3A_28, %dma_start3A_29] : memref<200x128xi32, #tpu.memory_space<vmem>> -> memref<1x128xi32, #tpu.memory_space<vmem>>
    %dma_start3A_31 = tpu.memref_squeeze %dma_start3A_30 : memref<1x128xi32, #tpu.memory_space<vmem>> -> memref<128xi32, #tpu.memory_space<vmem>>
    %dma_start3A_32 = arith.constant 0 : i32
    %dma_start3A_33 = arith.constant 0 : i32
    %dma_start3A_34 = tpu.memref_slice %arg3[%dma_start3A_32, %dma_start3A_33] : memref<1015808x16xf32, #tpu.memory_space<hbm>> -> memref<1015808x16xf32, #tpu.memory_space<hbm>>
    tpu.enqueue_indirect_dma source(%dma_start3A_34 : memref<1015808x16xf32, #tpu.memory_space<hbm>>) target(%arg6 : memref<128x16xf32, #tpu.memory_space<vmem>>) offsets(%dma_start3A_31 : memref<128xi32, #tpu.memory_space<vmem>>) semaphore(%arg7 : memref<!tpu.dma_semaphore, #tpu.memory_space<semaphore_mem>>) {add = true}
    %dma_start3A_35 = arith.constant 3 : i32
    %dma_start3A_36 = arith.constant 0 : i32
    %dma_start3A_37 = tpu.memref_slice %arg5[%dma_start3A_35, %dma_start3A_36] : memref<200x128xi32, #tpu.memory_space<vmem>> -> memref<1x128xi32, #tpu.memory_space<vmem>>
    %dma_start3A_38 = tpu.memref_squeeze %dma_start3A_37 : memref<1x128xi32, #tpu.memory_space<vmem>> -> memref<128xi32, #tpu.memory_space<vmem>>
    %dma_start3A_39 = arith.constant 0 : i32
    %dma_start3A_40 = arith.constant 0 : i32
    %dma_start3A_41 = tpu.memref_slice %arg3[%dma_start3A_39, %dma_start3A_40] : memref<1015808x16xf32, #tpu.memory_space<hbm>> -> memref<1015808x16xf32, #tpu.memory_space<hbm>>
    tpu.enqueue_indirect_dma source(%dma_start3A_41 : memref<1015808x16xf32, #tpu.memory_space<hbm>>) target(%arg6 : memref<128x16xf32, #tpu.memory_space<vmem>>) offsets(%dma_start3A_38 : memref<128xi32, #tpu.memory_space<vmem>>) semaphore(%arg7 : memref<!tpu.dma_semaphore, #tpu.memory_space<semaphore_mem>>) {add = true}
    %dma_start3A_42 = arith.constant 4 : i32
    %dma_start3A_43 = arith.constant 0 : i32
    %dma_start3A_44 = tpu.memref_slice %arg5[%dma_start3A_42, %dma_start3A_43] : memref<200x128xi32, #tpu.memory_space<vmem>> -> memref<1x128xi32, #tpu.memory_space<vmem>>
    %dma_start3A_45 = tpu.memref_squeeze %dma_start3A_44 : memref<1x128xi32, #tpu.memory_space<vmem>> -> memref<128xi32, #tpu.memory_space<vmem>>
    %dma_start3A_46 = arith.constant 0 : i32
    %dma_start3A_47 = arith.constant 0 : i32
    %dma_start3A_48 = tpu.memref_slice %arg3[%dma_start3A_46, %dma_start3A_47] : memref<1015808x16xf32, #tpu.memory_space<hbm>> -> memref<1015808x16xf32, #tpu.memory_space<hbm>>
    tpu.enqueue_indirect_dma source(%dma_start3A_48 : memref<1015808x16xf32, #tpu.memory_space<hbm>>) target(%arg6 : memref<128x16xf32, #tpu.memory_space<vmem>>) offsets(%dma_start3A_45 : memref<128xi32, #tpu.memory_space<vmem>>) semaphore(%arg7 : memref<!tpu.dma_semaphore, #tpu.memory_space<semaphore_mem>>) {add = true}
    %dma_start3A_49 = arith.constant 5 : i32
    %dma_start3A_50 = arith.constant 0 : i32
    %dma_start3A_51 = tpu.memref_slice %arg5[%dma_start3A_49, %dma_start3A_50] : memref<200x128xi32, #tpu.memory_space<vmem>> -> memref<1x128xi32, #tpu.memory_space<vmem>>
    %dma_start3A_52 = tpu.memref_squeeze %dma_start3A_51 : memref<1x128xi32, #tpu.memory_space<vmem>> -> memref<128xi32, #tpu.memory_space<vmem>>
    %dma_start3A_53 = arith.constant 0 : i32
    %dma_start3A_54 = arith.constant 0 : i32
    %dma_start3A_55 = tpu.memref_slice %arg3[%dma_start3A_53, %dma_start3A_54] : memref<1015808x16xf32, #tpu.memory_space<hbm>> -> memref<1015808x16xf32, #tpu.memory_space<hbm>>
    tpu.enqueue_indirect_dma source(%dma_start3A_55 : memref<1015808x16xf32, #tpu.memory_space<hbm>>) target(%arg6 : memref<128x16xf32, #tpu.memory_space<vmem>>) offsets(%dma_start3A_52 : memref<128xi32, #tpu.memory_space<vmem>>) semaphore(%arg7 : memref<!tpu.dma_semaphore, #tpu.memory_space<semaphore_mem>>) {add = true}
    %dma_start3A_56 = arith.constant 6 : i32
    %dma_start3A_57 = arith.constant 0 : i32
    %dma_start3A_58 = tpu.memref_slice %arg5[%dma_start3A_56, %dma_start3A_57] : memref<200x128xi32, #tpu.memory_space<vmem>> -> memref<1x128xi32, #tpu.memory_space<vmem>>
    %dma_start3A_59 = tpu.memref_squeeze %dma_start3A_58 : memref<1x128xi32, #tpu.memory_space<vmem>> -> memref<128xi32, #tpu.memory_space<vmem>>
    %dma_start3A_60 = arith.constant 0 : i32
    %dma_start3A_61 = arith.constant 0 : i32
    %dma_start3A_62 = tpu.memref_slice %arg3[%dma_start3A_60, %dma_start3A_61] : memref<1015808x16xf32, #tpu.memory_space<hbm>> -> memref<1015808x16xf32, #tpu.memory_space<hbm>>
    tpu.enqueue_indirect_dma source(%dma_start3A_62 : memref<1015808x16xf32, #tpu.memory_space<hbm>>) target(%arg6 : memref<128x16xf32, #tpu.memory_space<vmem>>) offsets(%dma_start3A_59 : memref<128xi32, #tpu.memory_space<vmem>>) semaphore(%arg7 : memref<!tpu.dma_semaphore, #tpu.memory_space<semaphore_mem>>) {add = true}
    %dma_start3A_63 = arith.constant 7 : i32
    %dma_start3A_64 = arith.constant 0 : i32
    %dma_start3A_65 = tpu.memref_slice %arg5[%dma_start3A_63, %dma_start3A_64] : memref<200x128xi32, #tpu.memory_space<vmem>> -> memref<1x128xi32, #tpu.memory_space<vmem>>
    %dma_start3A_66 = tpu.memref_squeeze %dma_start3A_65 : memref<1x128xi32, #tpu.memory_space<vmem>> -> memref<128xi32, #tpu.memory_space<vmem>>
    %dma_start3A_67 = arith.constant 0 : i32
    %dma_start3A_68 = arith.constant 0 : i32
    %dma_start3A_69 = tpu.memref_slice %arg3[%dma_start3A_67, %dma_start3A_68] : memref<1015808x16xf32, #tpu.memory_space<hbm>> -> memref<1015808x16xf32, #tpu.memory_space<hbm>>
    tpu.enqueue_indirect_dma source(%dma_start3A_69 : memref<1015808x16xf32, #tpu.memory_space<hbm>>) target(%arg6 : memref<128x16xf32, #tpu.memory_space<vmem>>) offsets(%dma_start3A_66 : memref<128xi32, #tpu.memory_space<vmem>>) semaphore(%arg7 : memref<!tpu.dma_semaphore, #tpu.memory_space<semaphore_mem>>) {add = true}
    %scan3A_70 = arith.constant 0 : i32
    %scan3A_71 = arith.constant 1 : i32
    %scan3A_72 = arith.constant 24 : i32
    %scan3A_73 = arith.addi %scan3A_71, %scan3A_72 : i32
    %scan3A_74 = arith.constant 1 : i32
    scf.for %scan3A_133 = %scan3A_71 to %scan3A_73 step %scan3A_74  : i32 {
      %mul3A_134 = arith.constant 8 : i32
      %mul3A_135 = arith.muli %scan3A_133, %mul3A_134 : i32
      %add3A_136 = arith.constant 0 : i32
      %add3A_137 = arith.addi %mul3A_135, %add3A_136 : i32
      %dma_start3A_138 = arith.constant 0 : i32
      %dma_start3A_139 = tpu.memref_slice %arg5[%add3A_137, %dma_start3A_138] : memref<200x128xi32, #tpu.memory_space<vmem>> -> memref<1x128xi32, #tpu.memory_space<vmem>>
      %dma_start3A_140 = tpu.memref_squeeze %dma_start3A_139 : memref<1x128xi32, #tpu.memory_space<vmem>> -> memref<128xi32, #tpu.memory_space<vmem>>
      %dma_start3A_141 = arith.constant 0 : i32
      %dma_start3A_142 = arith.constant 0 : i32
      %dma_start3A_143 = tpu.memref_slice %arg3[%dma_start3A_141, %dma_start3A_142] : memref<1015808x16xf32, #tpu.memory_space<hbm>> -> memref<1015808x16xf32, #tpu.memory_space<hbm>>
      tpu.enqueue_indirect_dma source(%dma_start3A_143 : memref<1015808x16xf32, #tpu.memory_space<hbm>>) target(%arg6 : memref<128x16xf32, #tpu.memory_space<vmem>>) offsets(%dma_start3A_140 : memref<128xi32, #tpu.memory_space<vmem>>) semaphore(%arg7 : memref<!tpu.dma_semaphore, #tpu.memory_space<semaphore_mem>>) {add = true}
      %mul3A_144 = arith.constant 8 : i32
      %mul3A_145 = arith.muli %scan3A_133, %mul3A_144 : i32
      %add3A_146 = arith.constant 1 : i32
      %add3A_147 = arith.addi %mul3A_145, %add3A_146 : i32
      %dma_start3A_148 = arith.constant 0 : i32
      %dma_start3A_149 = tpu.memref_slice %arg5[%add3A_147, %dma_start3A_148] : memref<200x128xi32, #tpu.memory_space<vmem>> -> memref<1x128xi32, #tpu.memory_space<vmem>>
      %dma_start3A_150 = tpu.memref_squeeze %dma_start3A_149 : memref<1x128xi32, #tpu.memory_space<vmem>> -> memref<128xi32, #tpu.memory_space<vmem>>
      %dma_start3A_151 = arith.constant 0 : i32
      %dma_start3A_152 = arith.constant 0 : i32
      %dma_start3A_153 = tpu.memref_slice %arg3[%dma_start3A_151, %dma_start3A_152] : memref<1015808x16xf32, #tpu.memory_space<hbm>> -> memref<1015808x16xf32, #tpu.memory_space<hbm>>
      tpu.enqueue_indirect_dma source(%dma_start3A_153 : memref<1015808x16xf32, #tpu.memory_space<hbm>>) target(%arg6 : memref<128x16xf32, #tpu.memory_space<vmem>>) offsets(%dma_start3A_150 : memref<128xi32, #tpu.memory_space<vmem>>) semaphore(%arg7 : memref<!tpu.dma_semaphore, #tpu.memory_space<semaphore_mem>>) {add = true}
      %mul3A_154 = arith.constant 8 : i32
      %mul3A_155 = arith.muli %scan3A_133, %mul3A_154 : i32
      %add3A_156 = arith.constant 2 : i32
      %add3A_157 = arith.addi %mul3A_155, %add3A_156 : i32
      %dma_start3A_158 = arith.constant 0 : i32
      %dma_start3A_159 = tpu.memref_slice %arg5[%add3A_157, %dma_start3A_158] : memref<200x128xi32, #tpu.memory_space<vmem>> -> memref<1x128xi32, #tpu.memory_space<vmem>>
      %dma_start3A_160 = tpu.memref_squeeze %dma_start3A_159 : memref<1x128xi32, #tpu.memory_space<vmem>> -> memref<128xi32, #tpu.memory_space<vmem>>
      %dma_start3A_161 = arith.constant 0 : i32
      %dma_start3A_162 = arith.constant 0 : i32
      %dma_start3A_163 = tpu.memref_slice %arg3[%dma_start3A_161, %dma_start3A_162] : memref<1015808x16xf32, #tpu.memory_space<hbm>> -> memref<1015808x16xf32, #tpu.memory_space<hbm>>
      tpu.enqueue_indirect_dma source(%dma_start3A_163 : memref<1015808x16xf32, #tpu.memory_space<hbm>>) target(%arg6 : memref<128x16xf32, #tpu.memory_space<vmem>>) offsets(%dma_start3A_160 : memref<128xi32, #tpu.memory_space<vmem>>) semaphore(%arg7 : memref<!tpu.dma_semaphore, #tpu.memory_space<semaphore_mem>>) {add = true}
      %mul3A_164 = arith.constant 8 : i32
      %mul3A_165 = arith.muli %scan3A_133, %mul3A_164 : i32
      %add3A_166 = arith.constant 3 : i32
      %add3A_167 = arith.addi %mul3A_165, %add3A_166 : i32
      %dma_start3A_168 = arith.constant 0 : i32
      %dma_start3A_169 = tpu.memref_slice %arg5[%add3A_167, %dma_start3A_168] : memref<200x128xi32, #tpu.memory_space<vmem>> -> memref<1x128xi32, #tpu.memory_space<vmem>>
      %dma_start3A_170 = tpu.memref_squeeze %dma_start3A_169 : memref<1x128xi32, #tpu.memory_space<vmem>> -> memref<128xi32, #tpu.memory_space<vmem>>
      %dma_start3A_171 = arith.constant 0 : i32
      %dma_start3A_172 = arith.constant 0 : i32
      %dma_start3A_173 = tpu.memref_slice %arg3[%dma_start3A_171, %dma_start3A_172] : memref<1015808x16xf32, #tpu.memory_space<hbm>> -> memref<1015808x16xf32, #tpu.memory_space<hbm>>
      tpu.enqueue_indirect_dma source(%dma_start3A_173 : memref<1015808x16xf32, #tpu.memory_space<hbm>>) target(%arg6 : memref<128x16xf32, #tpu.memory_space<vmem>>) offsets(%dma_start3A_170 : memref<128xi32, #tpu.memory_space<vmem>>) semaphore(%arg7 : memref<!tpu.dma_semaphore, #tpu.memory_space<semaphore_mem>>) {add = true}
      %mul3A_174 = arith.constant 8 : i32
      %mul3A_175 = arith.muli %scan3A_133, %mul3A_174 : i32
      %add3A_176 = arith.constant 4 : i32
      %add3A_177 = arith.addi %mul3A_175, %add3A_176 : i32
      %dma_start3A_178 = arith.constant 0 : i32
      %dma_start3A_179 = tpu.memref_slice %arg5[%add3A_177, %dma_start3A_178] : memref<200x128xi32, #tpu.memory_space<vmem>> -> memref<1x128xi32, #tpu.memory_space<vmem>>
      %dma_start3A_180 = tpu.memref_squeeze %dma_start3A_179 : memref<1x128xi32, #tpu.memory_space<vmem>> -> memref<128xi32, #tpu.memory_space<vmem>>
      %dma_start3A_181 = arith.constant 0 : i32
      %dma_start3A_182 = arith.constant 0 : i32
      %dma_start3A_183 = tpu.memref_slice %arg3[%dma_start3A_181, %dma_start3A_182] : memref<1015808x16xf32, #tpu.memory_space<hbm>> -> memref<1015808x16xf32, #tpu.memory_space<hbm>>
      tpu.enqueue_indirect_dma source(%dma_start3A_183 : memref<1015808x16xf32, #tpu.memory_space<hbm>>) target(%arg6 : memref<128x16xf32, #tpu.memory_space<vmem>>) offsets(%dma_start3A_180 : memref<128xi32, #tpu.memory_space<vmem>>) semaphore(%arg7 : memref<!tpu.dma_semaphore, #tpu.memory_space<semaphore_mem>>) {add = true}
      %mul3A_184 = arith.constant 8 : i32
      %mul3A_185 = arith.muli %scan3A_133, %mul3A_184 : i32
      %add3A_186 = arith.constant 5 : i32
      %add3A_187 = arith.addi %mul3A_185, %add3A_186 : i32
      %dma_start3A_188 = arith.constant 0 : i32
      %dma_start3A_189 = tpu.memref_slice %arg5[%add3A_187, %dma_start3A_188] : memref<200x128xi32, #tpu.memory_space<vmem>> -> memref<1x128xi32, #tpu.memory_space<vmem>>
      %dma_start3A_190 = tpu.memref_squeeze %dma_start3A_189 : memref<1x128xi32, #tpu.memory_space<vmem>> -> memref<128xi32, #tpu.memory_space<vmem>>
      %dma_start3A_191 = arith.constant 0 : i32
      %dma_start3A_192 = arith.constant 0 : i32
      %dma_start3A_193 = tpu.memref_slice %arg3[%dma_start3A_191, %dma_start3A_192] : memref<1015808x16xf32, #tpu.memory_space<hbm>> -> memref<1015808x16xf32, #tpu.memory_space<hbm>>
      tpu.enqueue_indirect_dma source(%dma_start3A_193 : memref<1015808x16xf32, #tpu.memory_space<hbm>>) target(%arg6 : memref<128x16xf32, #tpu.memory_space<vmem>>) offsets(%dma_start3A_190 : memref<128xi32, #tpu.memory_space<vmem>>) semaphore(%arg7 : memref<!tpu.dma_semaphore, #tpu.memory_space<semaphore_mem>>) {add = true}
      %mul3A_194 = arith.constant 8 : i32
      %mul3A_195 = arith.muli %scan3A_133, %mul3A_194 : i32
      %add3A_196 = arith.constant 6 : i32
      %add3A_197 = arith.addi %mul3A_195, %add3A_196 : i32
      %dma_start3A_198 = arith.constant 0 : i32
      %dma_start3A_199 = tpu.memref_slice %arg5[%add3A_197, %dma_start3A_198] : memref<200x128xi32, #tpu.memory_space<vmem>> -> memref<1x128xi32, #tpu.memory_space<vmem>>
      %dma_start3A_200 = tpu.memref_squeeze %dma_start3A_199 : memref<1x128xi32, #tpu.memory_space<vmem>> -> memref<128xi32, #tpu.memory_space<vmem>>
      %dma_start3A_201 = arith.constant 0 : i32
      %dma_start3A_202 = arith.constant 0 : i32
      %dma_start3A_203 = tpu.memref_slice %arg3[%dma_start3A_201, %dma_start3A_202] : memref<1015808x16xf32, #tpu.memory_space<hbm>> -> memref<1015808x16xf32, #tpu.memory_space<hbm>>
      tpu.enqueue_indirect_dma source(%dma_start3A_203 : memref<1015808x16xf32, #tpu.memory_space<hbm>>) target(%arg6 : memref<128x16xf32, #tpu.memory_space<vmem>>) offsets(%dma_start3A_200 : memref<128xi32, #tpu.memory_space<vmem>>) semaphore(%arg7 : memref<!tpu.dma_semaphore, #tpu.memory_space<semaphore_mem>>) {add = true}
      %mul3A_204 = arith.constant 8 : i32
      %mul3A_205 = arith.muli %scan3A_133, %mul3A_204 : i32
      %add3A_206 = arith.constant 7 : i32
      %add3A_207 = arith.addi %mul3A_205, %add3A_206 : i32
      %dma_start3A_208 = arith.constant 0 : i32
      %dma_start3A_209 = tpu.memref_slice %arg5[%add3A_207, %dma_start3A_208] : memref<200x128xi32, #tpu.memory_space<vmem>> -> memref<1x128xi32, #tpu.memory_space<vmem>>
      %dma_start3A_210 = tpu.memref_squeeze %dma_start3A_209 : memref<1x128xi32, #tpu.memory_space<vmem>> -> memref<128xi32, #tpu.memory_space<vmem>>
      %dma_start3A_211 = arith.constant 0 : i32
      %dma_start3A_212 = arith.constant 0 : i32
      %dma_start3A_213 = tpu.memref_slice %arg3[%dma_start3A_211, %dma_start3A_212] : memref<1015808x16xf32, #tpu.memory_space<hbm>> -> memref<1015808x16xf32, #tpu.memory_space<hbm>>
      tpu.enqueue_indirect_dma source(%dma_start3A_213 : memref<1015808x16xf32, #tpu.memory_space<hbm>>) target(%arg6 : memref<128x16xf32, #tpu.memory_space<vmem>>) offsets(%dma_start3A_210 : memref<128xi32, #tpu.memory_space<vmem>>) semaphore(%arg7 : memref<!tpu.dma_semaphore, #tpu.memory_space<semaphore_mem>>) {add = true}
      %dma_wait3A_214 = arith.constant 0 : i32
      %dma_wait3A_215 = arith.constant 0 : i32
      %dma_wait3A_216 = tpu.memref_slice %arg5[%dma_wait3A_214, %dma_wait3A_215] : memref<200x128xi32, #tpu.memory_space<vmem>> -> memref<1x128xi32, #tpu.memory_space<vmem>>
      %dma_wait3A_217 = tpu.memref_squeeze %dma_wait3A_216 : memref<1x128xi32, #tpu.memory_space<vmem>> -> memref<128xi32, #tpu.memory_space<vmem>>
      %dma_wait3A_218 = arith.constant 0 : i32
      %dma_wait3A_219 = arith.constant 0 : i32
      %dma_wait3A_220 = tpu.memref_slice %arg3[%dma_wait3A_218, %dma_wait3A_219] : memref<1015808x16xf32, #tpu.memory_space<hbm>> -> memref<1015808x16xf32, #tpu.memory_space<hbm>>
      tpu.wait_indirect_dma semaphore(%arg7 : memref<!tpu.dma_semaphore, #tpu.memory_space<semaphore_mem>>) src(%dma_wait3A_220 : memref<1015808x16xf32, #tpu.memory_space<hbm>>) dst(%arg6 : memref<128x16xf32, #tpu.memory_space<vmem>>)
      %dma_wait3A_221 = arith.constant 0 : i32
      %dma_wait3A_222 = arith.constant 0 : i32
      %dma_wait3A_223 = tpu.memref_slice %arg5[%dma_wait3A_221, %dma_wait3A_222] : memref<200x128xi32, #tpu.memory_space<vmem>> -> memref<1x128xi32, #tpu.memory_space<vmem>>
      %dma_wait3A_224 = tpu.memref_squeeze %dma_wait3A_223 : memref<1x128xi32, #tpu.memory_space<vmem>> -> memref<128xi32, #tpu.memory_space<vmem>>
      %dma_wait3A_225 = arith.constant 0 : i32
      %dma_wait3A_226 = arith.constant 0 : i32
      %dma_wait3A_227 = tpu.memref_slice %arg3[%dma_wait3A_225, %dma_wait3A_226] : memref<1015808x16xf32, #tpu.memory_space<hbm>> -> memref<1015808x16xf32, #tpu.memory_space<hbm>>
      tpu.wait_indirect_dma semaphore(%arg7 : memref<!tpu.dma_semaphore, #tpu.memory_space<semaphore_mem>>) src(%dma_wait3A_227 : memref<1015808x16xf32, #tpu.memory_space<hbm>>) dst(%arg6 : memref<128x16xf32, #tpu.memory_space<vmem>>)
      %dma_wait3A_228 = arith.constant 0 : i32
      %dma_wait3A_229 = arith.constant 0 : i32
      %dma_wait3A_230 = tpu.memref_slice %arg5[%dma_wait3A_228, %dma_wait3A_229] : memref<200x128xi32, #tpu.memory_space<vmem>> -> memref<1x128xi32, #tpu.memory_space<vmem>>
      %dma_wait3A_231 = tpu.memref_squeeze %dma_wait3A_230 : memref<1x128xi32, #tpu.memory_space<vmem>> -> memref<128xi32, #tpu.memory_space<vmem>>
      %dma_wait3A_232 = arith.constant 0 : i32
      %dma_wait3A_233 = arith.constant 0 : i32
      %dma_wait3A_234 = tpu.memref_slice %arg3[%dma_wait3A_232, %dma_wait3A_233] : memref<1015808x16xf32, #tpu.memory_space<hbm>> -> memref<1015808x16xf32, #tpu.memory_space<hbm>>
      tpu.wait_indirect_dma semaphore(%arg7 : memref<!tpu.dma_semaphore, #tpu.memory_space<semaphore_mem>>) src(%dma_wait3A_234 : memref<1015808x16xf32, #tpu.memory_space<hbm>>) dst(%arg6 : memref<128x16xf32, #tpu.memory_space<vmem>>)
      %dma_wait3A_235 = arith.constant 0 : i32
      %dma_wait3A_236 = arith.constant 0 : i32
      %dma_wait3A_237 = tpu.memref_slice %arg5[%dma_wait3A_235, %dma_wait3A_236] : memref<200x128xi32, #tpu.memory_space<vmem>> -> memref<1x128xi32, #tpu.memory_space<vmem>>
      %dma_wait3A_238 = tpu.memref_squeeze %dma_wait3A_237 : memref<1x128xi32, #tpu.memory_space<vmem>> -> memref<128xi32, #tpu.memory_space<vmem>>
      %dma_wait3A_239 = arith.constant 0 : i32
      %dma_wait3A_240 = arith.constant 0 : i32
      %dma_wait3A_241 = tpu.memref_slice %arg3[%dma_wait3A_239, %dma_wait3A_240] : memref<1015808x16xf32, #tpu.memory_space<hbm>> -> memref<1015808x16xf32, #tpu.memory_space<hbm>>
      tpu.wait_indirect_dma semaphore(%arg7 : memref<!tpu.dma_semaphore, #tpu.memory_space<semaphore_mem>>) src(%dma_wait3A_241 : memref<1015808x16xf32, #tpu.memory_space<hbm>>) dst(%arg6 : memref<128x16xf32, #tpu.memory_space<vmem>>)
      %dma_wait3A_242 = arith.constant 0 : i32
      %dma_wait3A_243 = arith.constant 0 : i32
      %dma_wait3A_244 = tpu.memref_slice %arg5[%dma_wait3A_242, %dma_wait3A_243] : memref<200x128xi32, #tpu.memory_space<vmem>> -> memref<1x128xi32, #tpu.memory_space<vmem>>
      %dma_wait3A_245 = tpu.memref_squeeze %dma_wait3A_244 : memref<1x128xi32, #tpu.memory_space<vmem>> -> memref<128xi32, #tpu.memory_space<vmem>>
      %dma_wait3A_246 = arith.constant 0 : i32
      %dma_wait3A_247 = arith.constant 0 : i32
      %dma_wait3A_248 = tpu.memref_slice %arg3[%dma_wait3A_246, %dma_wait3A_247] : memref<1015808x16xf32, #tpu.memory_space<hbm>> -> memref<1015808x16xf32, #tpu.memory_space<hbm>>
      tpu.wait_indirect_dma semaphore(%arg7 : memref<!tpu.dma_semaphore, #tpu.memory_space<semaphore_mem>>) src(%dma_wait3A_248 : memref<1015808x16xf32, #tpu.memory_space<hbm>>) dst(%arg6 : memref<128x16xf32, #tpu.memory_space<vmem>>)
      %dma_wait3A_249 = arith.constant 0 : i32
      %dma_wait3A_250 = arith.constant 0 : i32
      %dma_wait3A_251 = tpu.memref_slice %arg5[%dma_wait3A_249, %dma_wait3A_250] : memref<200x128xi32, #tpu.memory_space<vmem>> -> memref<1x128xi32, #tpu.memory_space<vmem>>
      %dma_wait3A_252 = tpu.memref_squeeze %dma_wait3A_251 : memref<1x128xi32, #tpu.memory_space<vmem>> -> memref<128xi32, #tpu.memory_space<vmem>>
      %dma_wait3A_253 = arith.constant 0 : i32
      %dma_wait3A_254 = arith.constant 0 : i32
      %dma_wait3A_255 = tpu.memref_slice %arg3[%dma_wait3A_253, %dma_wait3A_254] : memref<1015808x16xf32, #tpu.memory_space<hbm>> -> memref<1015808x16xf32, #tpu.memory_space<hbm>>
      tpu.wait_indirect_dma semaphore(%arg7 : memref<!tpu.dma_semaphore, #tpu.memory_space<semaphore_mem>>) src(%dma_wait3A_255 : memref<1015808x16xf32, #tpu.memory_space<hbm>>) dst(%arg6 : memref<128x16xf32, #tpu.memory_space<vmem>>)
      %dma_wait3A_256 = arith.constant 0 : i32
      %dma_wait3A_257 = arith.constant 0 : i32
      %dma_wait3A_258 = tpu.memref_slice %arg5[%dma_wait3A_256, %dma_wait3A_257] : memref<200x128xi32, #tpu.memory_space<vmem>> -> memref<1x128xi32, #tpu.memory_space<vmem>>
      %dma_wait3A_259 = tpu.memref_squeeze %dma_wait3A_258 : memref<1x128xi32, #tpu.memory_space<vmem>> -> memref<128xi32, #tpu.memory_space<vmem>>
      %dma_wait3A_260 = arith.constant 0 : i32
      %dma_wait3A_261 = arith.constant 0 : i32
      %dma_wait3A_262 = tpu.memref_slice %arg3[%dma_wait3A_260, %dma_wait3A_261] : memref<1015808x16xf32, #tpu.memory_space<hbm>> -> memref<1015808x16xf32, #tpu.memory_space<hbm>>
      tpu.wait_indirect_dma semaphore(%arg7 : memref<!tpu.dma_semaphore, #tpu.memory_space<semaphore_mem>>) src(%dma_wait3A_262 : memref<1015808x16xf32, #tpu.memory_space<hbm>>) dst(%arg6 : memref<128x16xf32, #tpu.memory_space<vmem>>)
      %dma_wait3A_263 = arith.constant 0 : i32
      %dma_wait3A_264 = arith.constant 0 : i32
      %dma_wait3A_265 = tpu.memref_slice %arg5[%dma_wait3A_263, %dma_wait3A_264] : memref<200x128xi32, #tpu.memory_space<vmem>> -> memref<1x128xi32, #tpu.memory_space<vmem>>
      %dma_wait3A_266 = tpu.memref_squeeze %dma_wait3A_265 : memref<1x128xi32, #tpu.memory_space<vmem>> -> memref<128xi32, #tpu.memory_space<vmem>>
      %dma_wait3A_267 = arith.constant 0 : i32
      %dma_wait3A_268 = arith.constant 0 : i32
      %dma_wait3A_269 = tpu.memref_slice %arg3[%dma_wait3A_267, %dma_wait3A_268] : memref<1015808x16xf32, #tpu.memory_space<hbm>> -> memref<1015808x16xf32, #tpu.memory_space<hbm>>
      tpu.wait_indirect_dma semaphore(%arg7 : memref<!tpu.dma_semaphore, #tpu.memory_space<semaphore_mem>>) src(%dma_wait3A_269 : memref<1015808x16xf32, #tpu.memory_space<hbm>>) dst(%arg6 : memref<128x16xf32, #tpu.memory_space<vmem>>)
    }
    %scan3A_75 = arith.constant 24 : i32
    %dma_wait3A = arith.constant 0 : i32
    %dma_wait3A_76 = arith.constant 0 : i32
    %dma_wait3A_77 = tpu.memref_slice %arg5[%dma_wait3A, %dma_wait3A_76] : memref<200x128xi32, #tpu.memory_space<vmem>> -> memref<1x128xi32, #tpu.memory_space<vmem>>
    %dma_wait3A_78 = tpu.memref_squeeze %dma_wait3A_77 : memref<1x128xi32, #tpu.memory_space<vmem>> -> memref<128xi32, #tpu.memory_space<vmem>>
    %dma_wait3A_79 = arith.constant 0 : i32
    %dma_wait3A_80 = arith.constant 0 : i32
    %dma_wait3A_81 = tpu.memref_slice %arg3[%dma_wait3A_79, %dma_wait3A_80] : memref<1015808x16xf32, #tpu.memory_space<hbm>> -> memref<1015808x16xf32, #tpu.memory_space<hbm>>
    tpu.wait_indirect_dma semaphore(%arg7 : memref<!tpu.dma_semaphore, #tpu.memory_space<semaphore_mem>>) src(%dma_wait3A_81 : memref<1015808x16xf32, #tpu.memory_space<hbm>>) dst(%arg6 : memref<128x16xf32, #tpu.memory_space<vmem>>)
    %dma_wait3A_82 = arith.constant 0 : i32
    %dma_wait3A_83 = arith.constant 0 : i32
    %dma_wait3A_84 = tpu.memref_slice %arg5[%dma_wait3A_82, %dma_wait3A_83] : memref<200x128xi32, #tpu.memory_space<vmem>> -> memref<1x128xi32, #tpu.memory_space<vmem>>
    %dma_wait3A_85 = tpu.memref_squeeze %dma_wait3A_84 : memref<1x128xi32, #tpu.memory_space<vmem>> -> memref<128xi32, #tpu.memory_space<vmem>>
    %dma_wait3A_86 = arith.constant 0 : i32
    %dma_wait3A_87 = arith.constant 0 : i32
    %dma_wait3A_88 = tpu.memref_slice %arg3[%dma_wait3A_86, %dma_wait3A_87] : memref<1015808x16xf32, #tpu.memory_space<hbm>> -> memref<1015808x16xf32, #tpu.memory_space<hbm>>
    tpu.wait_indirect_dma semaphore(%arg7 : memref<!tpu.dma_semaphore, #tpu.memory_space<semaphore_mem>>) src(%dma_wait3A_88 : memref<1015808x16xf32, #tpu.memory_space<hbm>>) dst(%arg6 : memref<128x16xf32, #tpu.memory_space<vmem>>)
    %dma_wait3A_89 = arith.constant 0 : i32
    %dma_wait3A_90 = arith.constant 0 : i32
    %dma_wait3A_91 = tpu.memref_slice %arg5[%dma_wait3A_89, %dma_wait3A_90] : memref<200x128xi32, #tpu.memory_space<vmem>> -> memref<1x128xi32, #tpu.memory_space<vmem>>
    %dma_wait3A_92 = tpu.memref_squeeze %dma_wait3A_91 : memref<1x128xi32, #tpu.memory_space<vmem>> -> memref<128xi32, #tpu.memory_space<vmem>>
    %dma_wait3A_93 = arith.constant 0 : i32
    %dma_wait3A_94 = arith.constant 0 : i32
    %dma_wait3A_95 = tpu.memref_slice %arg3[%dma_wait3A_93, %dma_wait3A_94] : memref<1015808x16xf32, #tpu.memory_space<hbm>> -> memref<1015808x16xf32, #tpu.memory_space<hbm>>
    tpu.wait_indirect_dma semaphore(%arg7 : memref<!tpu.dma_semaphore, #tpu.memory_space<semaphore_mem>>) src(%dma_wait3A_95 : memref<1015808x16xf32, #tpu.memory_space<hbm>>) dst(%arg6 : memref<128x16xf32, #tpu.memory_space<vmem>>)
    %dma_wait3A_96 = arith.constant 0 : i32
    %dma_wait3A_97 = arith.constant 0 : i32
    %dma_wait3A_98 = tpu.memref_slice %arg5[%dma_wait3A_96, %dma_wait3A_97] : memref<200x128xi32, #tpu.memory_space<vmem>> -> memref<1x128xi32, #tpu.memory_space<vmem>>
    %dma_wait3A_99 = tpu.memref_squeeze %dma_wait3A_98 : memref<1x128xi32, #tpu.memory_space<vmem>> -> memref<128xi32, #tpu.memory_space<vmem>>
    %dma_wait3A_100 = arith.constant 0 : i32
    %dma_wait3A_101 = arith.constant 0 : i32
    %dma_wait3A_102 = tpu.memref_slice %arg3[%dma_wait3A_100, %dma_wait3A_101] : memref<1015808x16xf32, #tpu.memory_space<hbm>> -> memref<1015808x16xf32, #tpu.memory_space<hbm>>
    tpu.wait_indirect_dma semaphore(%arg7 : memref<!tpu.dma_semaphore, #tpu.memory_space<semaphore_mem>>) src(%dma_wait3A_102 : memref<1015808x16xf32, #tpu.memory_space<hbm>>) dst(%arg6 : memref<128x16xf32, #tpu.memory_space<vmem>>)
    %dma_wait3A_103 = arith.constant 0 : i32
    %dma_wait3A_104 = arith.constant 0 : i32
    %dma_wait3A_105 = tpu.memref_slice %arg5[%dma_wait3A_103, %dma_wait3A_104] : memref<200x128xi32, #tpu.memory_space<vmem>> -> memref<1x128xi32, #tpu.memory_space<vmem>>
    %dma_wait3A_106 = tpu.memref_squeeze %dma_wait3A_105 : memref<1x128xi32, #tpu.memory_space<vmem>> -> memref<128xi32, #tpu.memory_space<vmem>>
    %dma_wait3A_107 = arith.constant 0 : i32
    %dma_wait3A_108 = arith.constant 0 : i32
    %dma_wait3A_109 = tpu.memref_slice %arg3[%dma_wait3A_107, %dma_wait3A_108] : memref<1015808x16xf32, #tpu.memory_space<hbm>> -> memref<1015808x16xf32, #tpu.memory_space<hbm>>
    tpu.wait_indirect_dma semaphore(%arg7 : memref<!tpu.dma_semaphore, #tpu.memory_space<semaphore_mem>>) src(%dma_wait3A_109 : memref<1015808x16xf32, #tpu.memory_space<hbm>>) dst(%arg6 : memref<128x16xf32, #tpu.memory_space<vmem>>)
    %dma_wait3A_110 = arith.constant 0 : i32
    %dma_wait3A_111 = arith.constant 0 : i32
    %dma_wait3A_112 = tpu.memref_slice %arg5[%dma_wait3A_110, %dma_wait3A_111] : memref<200x128xi32, #tpu.memory_space<vmem>> -> memref<1x128xi32, #tpu.memory_space<vmem>>
    %dma_wait3A_113 = tpu.memref_squeeze %dma_wait3A_112 : memref<1x128xi32, #tpu.memory_space<vmem>> -> memref<128xi32, #tpu.memory_space<vmem>>
    %dma_wait3A_114 = arith.constant 0 : i32
    %dma_wait3A_115 = arith.constant 0 : i32
    %dma_wait3A_116 = tpu.memref_slice %arg3[%dma_wait3A_114, %dma_wait3A_115] : memref<1015808x16xf32, #tpu.memory_space<hbm>> -> memref<1015808x16xf32, #tpu.memory_space<hbm>>
    tpu.wait_indirect_dma semaphore(%arg7 : memref<!tpu.dma_semaphore, #tpu.memory_space<semaphore_mem>>) src(%dma_wait3A_116 : memref<1015808x16xf32, #tpu.memory_space<hbm>>) dst(%arg6 : memref<128x16xf32, #tpu.memory_space<vmem>>)
    %dma_wait3A_117 = arith.constant 0 : i32
    %dma_wait3A_118 = arith.constant 0 : i32
    %dma_wait3A_119 = tpu.memref_slice %arg5[%dma_wait3A_117, %dma_wait3A_118] : memref<200x128xi32, #tpu.memory_space<vmem>> -> memref<1x128xi32, #tpu.memory_space<vmem>>
    %dma_wait3A_120 = tpu.memref_squeeze %dma_wait3A_119 : memref<1x128xi32, #tpu.memory_space<vmem>> -> memref<128xi32, #tpu.memory_space<vmem>>
    %dma_wait3A_121 = arith.constant 0 : i32
    %dma_wait3A_122 = arith.constant 0 : i32
    %dma_wait3A_123 = tpu.memref_slice %arg3[%dma_wait3A_121, %dma_wait3A_122] : memref<1015808x16xf32, #tpu.memory_space<hbm>> -> memref<1015808x16xf32, #tpu.memory_space<hbm>>
    tpu.wait_indirect_dma semaphore(%arg7 : memref<!tpu.dma_semaphore, #tpu.memory_space<semaphore_mem>>) src(%dma_wait3A_123 : memref<1015808x16xf32, #tpu.memory_space<hbm>>) dst(%arg6 : memref<128x16xf32, #tpu.memory_space<vmem>>)
    %dma_wait3A_124 = arith.constant 0 : i32
    %dma_wait3A_125 = arith.constant 0 : i32
    %dma_wait3A_126 = tpu.memref_slice %arg5[%dma_wait3A_124, %dma_wait3A_125] : memref<200x128xi32, #tpu.memory_space<vmem>> -> memref<1x128xi32, #tpu.memory_space<vmem>>
    %dma_wait3A_127 = tpu.memref_squeeze %dma_wait3A_126 : memref<1x128xi32, #tpu.memory_space<vmem>> -> memref<128xi32, #tpu.memory_space<vmem>>
    %dma_wait3A_128 = arith.constant 0 : i32
    %dma_wait3A_129 = arith.constant 0 : i32
    %dma_wait3A_130 = tpu.memref_slice %arg3[%dma_wait3A_128, %dma_wait3A_129] : memref<1015808x16xf32, #tpu.memory_space<hbm>> -> memref<1015808x16xf32, #tpu.memory_space<hbm>>
    tpu.wait_indirect_dma semaphore(%arg7 : memref<!tpu.dma_semaphore, #tpu.memory_space<semaphore_mem>>) src(%dma_wait3A_130 : memref<1015808x16xf32, #tpu.memory_space<hbm>>) dst(%arg6 : memref<128x16xf32, #tpu.memory_space<vmem>>)
    %mul3A_131 = arith.constant 128 : i32
    %mul3A_132 = arith.muli %add3A, %mul3A_131 : i32
    "tpu.region"() ({
      %run_scoped3A = tpu.sem_alloc : memref<!tpu.dma_semaphore, #tpu.memory_space<semaphore_mem>>
      %dma_start3A_133 = arith.constant 0 : i32
      %dma_start3A_134 = tpu.memref_slice %arg4[%mul3A_132, %dma_start3A_133] : memref<4096x16xf32, #tpu.memory_space<hbm>> -> memref<128x16xf32, #tpu.memory_space<hbm>>
      %dma_start3A_135 = arith.constant 0 : i32
      %dma_start3A_136 = tpu.memref_slice %arg4[%mul3A_132, %dma_start3A_135] : memref<4096x16xf32, #tpu.memory_space<hbm>> -> memref<128x16xf32, #tpu.memory_space<hbm>>
      tpu.enqueue_dma source(%arg6 : memref<128x16xf32, #tpu.memory_space<vmem>>) target(%dma_start3A_136 : memref<128x16xf32, #tpu.memory_space<hbm>>) target_semaphore(%run_scoped3A : memref<!tpu.dma_semaphore, #tpu.memory_space<semaphore_mem>>)
      %dma_wait3A_137 = arith.constant 0 : i32
      %dma_wait3A_138 = tpu.memref_slice %arg4[%mul3A_132, %dma_wait3A_137] : memref<4096x16xf32, #tpu.memory_space<hbm>> -> memref<128x16xf32, #tpu.memory_space<hbm>>
      %dma_wait3A_139 = arith.constant 0 : i32
      %dma_wait3A_140 = tpu.memref_slice %arg4[%mul3A_132, %dma_wait3A_139] : memref<4096x16xf32, #tpu.memory_space<hbm>> -> memref<128x16xf32, #tpu.memory_space<hbm>>
      tpu.wait_dma2 semaphore(%run_scoped3A : memref<!tpu.dma_semaphore, #tpu.memory_space<semaphore_mem>>) src(%arg6 : memref<128x16xf32, #tpu.memory_space<vmem>>) dst(%dma_wait3A_140 : memref<128x16xf32, #tpu.memory_space<hbm>>)
      tpu.yield
    }) : () -> ()
    return
  }
}

module attributes {stable_mosaic.version = 14 : i64} {
  func.func @body(%arg0: i32, %arg1: memref<64x32768xf32, #tpu.memory_space<vmem>>, %arg2: memref<64x1024xf32, #tpu.memory_space<vmem>>, %arg3: memref<4096x128xf32, #tpu.memory_space<vmem>>) attributes {dimension_semantics = [#tpu.dimension_semantics<arbitrary>], iteration_bounds = array<i64: 31>, scalar_prefetch = 0 : i64, scratch_operands = 0 : i64, tpu.core_type = #tpu.core_type<tc>, window_params = [{transform_indices = @transform_0, window_bounds = array<i64: 64, 32768>}, {pipeline_mode = #tpu.pipeline_mode<synchronous>, transform_indices = @transform_1, window_bounds = array<i64: 64, 1024>}, {transform_indices = @transform_2, window_bounds = array<i64: 4096, 128>}]} {
    %get3A = arith.constant 0 : index
    %get3A_0 = arith.constant 0 : index
    %get3A_1 = vector.load %arg1[%get3A, %get3A_0] : memref<64x32768xf32, #tpu.memory_space<vmem>>, vector<64x4096xf32>
    %get3A_2 = arith.constant 0 : index
    %get3A_3 = arith.constant 0 : index
    %get3A_4 = vector.load %arg2[%get3A_2, %get3A_3] : memref<64x1024xf32, #tpu.memory_space<vmem>>, vector<64x128xf32>
    %dot_general3A = arith.constant dense<0.000000e+00> : vector<4096x128xf32>
    %dot_general3A_5 = tpu.matmul %get3A_1, %get3A_4, %dot_general3A {dimension_numbers = #tpu.dot_dimension_numbers<[0], [0], [1], [1], [0, 1, 1, 1], [], []>, transpose_lhs_hint = false} : vector<64x4096xf32>, vector<64x128xf32>, vector<4096x128xf32> -> vector<4096x128xf32>
    %get3A_6 = arith.constant 0 : index
    %get3A_7 = arith.constant 4096 : index
    %get3A_8 = vector.load %arg1[%get3A_6, %get3A_7] : memref<64x32768xf32, #tpu.memory_space<vmem>>, vector<64x4096xf32>
    %get3A_9 = arith.constant 0 : index
    %get3A_10 = arith.constant 128 : index
    %get3A_11 = vector.load %arg2[%get3A_9, %get3A_10] : memref<64x1024xf32, #tpu.memory_space<vmem>>, vector<64x128xf32>
    %dot_general3A_12 = arith.constant dense<0.000000e+00> : vector<4096x128xf32>
    %dot_general3A_13 = tpu.matmul %get3A_8, %get3A_11, %dot_general3A_12 {dimension_numbers = #tpu.dot_dimension_numbers<[0], [0], [1], [1], [0, 1, 1, 1], [], []>, transpose_lhs_hint = false} : vector<64x4096xf32>, vector<64x128xf32>, vector<4096x128xf32> -> vector<4096x128xf32>
    %add3A = arith.addf %dot_general3A_5, %dot_general3A_13 : vector<4096x128xf32>
    %get3A_14 = arith.constant 0 : index
    %get3A_15 = arith.constant 8192 : index
    %get3A_16 = vector.load %arg1[%get3A_14, %get3A_15] : memref<64x32768xf32, #tpu.memory_space<vmem>>, vector<64x4096xf32>
    %get3A_17 = arith.constant 0 : index
    %get3A_18 = arith.constant 256 : index
    %get3A_19 = vector.load %arg2[%get3A_17, %get3A_18] : memref<64x1024xf32, #tpu.memory_space<vmem>>, vector<64x128xf32>
    %dot_general3A_20 = arith.constant dense<0.000000e+00> : vector<4096x128xf32>
    %dot_general3A_21 = tpu.matmul %get3A_16, %get3A_19, %dot_general3A_20 {dimension_numbers = #tpu.dot_dimension_numbers<[0], [0], [1], [1], [0, 1, 1, 1], [], []>, transpose_lhs_hint = false} : vector<64x4096xf32>, vector<64x128xf32>, vector<4096x128xf32> -> vector<4096x128xf32>
    %add3A_22 = arith.addf %add3A, %dot_general3A_21 : vector<4096x128xf32>
    %get3A_23 = arith.constant 0 : index
    %get3A_24 = arith.constant 12288 : index
    %get3A_25 = vector.load %arg1[%get3A_23, %get3A_24] : memref<64x32768xf32, #tpu.memory_space<vmem>>, vector<64x4096xf32>
    %get3A_26 = arith.constant 0 : index
    %get3A_27 = arith.constant 384 : index
    %get3A_28 = vector.load %arg2[%get3A_26, %get3A_27] : memref<64x1024xf32, #tpu.memory_space<vmem>>, vector<64x128xf32>
    %dot_general3A_29 = arith.constant dense<0.000000e+00> : vector<4096x128xf32>
    %dot_general3A_30 = tpu.matmul %get3A_25, %get3A_28, %dot_general3A_29 {dimension_numbers = #tpu.dot_dimension_numbers<[0], [0], [1], [1], [0, 1, 1, 1], [], []>, transpose_lhs_hint = false} : vector<64x4096xf32>, vector<64x128xf32>, vector<4096x128xf32> -> vector<4096x128xf32>
    %add3A_31 = arith.addf %add3A_22, %dot_general3A_30 : vector<4096x128xf32>
    %get3A_32 = arith.constant 0 : index
    %get3A_33 = arith.constant 16384 : index
    %get3A_34 = vector.load %arg1[%get3A_32, %get3A_33] : memref<64x32768xf32, #tpu.memory_space<vmem>>, vector<64x4096xf32>
    %get3A_35 = arith.constant 0 : index
    %get3A_36 = arith.constant 512 : index
    %get3A_37 = vector.load %arg2[%get3A_35, %get3A_36] : memref<64x1024xf32, #tpu.memory_space<vmem>>, vector<64x128xf32>
    %dot_general3A_38 = arith.constant dense<0.000000e+00> : vector<4096x128xf32>
    %dot_general3A_39 = tpu.matmul %get3A_34, %get3A_37, %dot_general3A_38 {dimension_numbers = #tpu.dot_dimension_numbers<[0], [0], [1], [1], [0, 1, 1, 1], [], []>, transpose_lhs_hint = false} : vector<64x4096xf32>, vector<64x128xf32>, vector<4096x128xf32> -> vector<4096x128xf32>
    %add3A_40 = arith.addf %add3A_31, %dot_general3A_39 : vector<4096x128xf32>
    %get3A_41 = arith.constant 0 : index
    %get3A_42 = arith.constant 20480 : index
    %get3A_43 = vector.load %arg1[%get3A_41, %get3A_42] : memref<64x32768xf32, #tpu.memory_space<vmem>>, vector<64x4096xf32>
    %get3A_44 = arith.constant 0 : index
    %get3A_45 = arith.constant 640 : index
    %get3A_46 = vector.load %arg2[%get3A_44, %get3A_45] : memref<64x1024xf32, #tpu.memory_space<vmem>>, vector<64x128xf32>
    %dot_general3A_47 = arith.constant dense<0.000000e+00> : vector<4096x128xf32>
    %dot_general3A_48 = tpu.matmul %get3A_43, %get3A_46, %dot_general3A_47 {dimension_numbers = #tpu.dot_dimension_numbers<[0], [0], [1], [1], [0, 1, 1, 1], [], []>, transpose_lhs_hint = false} : vector<64x4096xf32>, vector<64x128xf32>, vector<4096x128xf32> -> vector<4096x128xf32>
    %add3A_49 = arith.addf %add3A_40, %dot_general3A_48 : vector<4096x128xf32>
    %get3A_50 = arith.constant 0 : index
    %get3A_51 = arith.constant 24576 : index
    %get3A_52 = vector.load %arg1[%get3A_50, %get3A_51] : memref<64x32768xf32, #tpu.memory_space<vmem>>, vector<64x4096xf32>
    %get3A_53 = arith.constant 0 : index
    %get3A_54 = arith.constant 768 : index
    %get3A_55 = vector.load %arg2[%get3A_53, %get3A_54] : memref<64x1024xf32, #tpu.memory_space<vmem>>, vector<64x128xf32>
    %dot_general3A_56 = arith.constant dense<0.000000e+00> : vector<4096x128xf32>
    %dot_general3A_57 = tpu.matmul %get3A_52, %get3A_55, %dot_general3A_56 {dimension_numbers = #tpu.dot_dimension_numbers<[0], [0], [1], [1], [0, 1, 1, 1], [], []>, transpose_lhs_hint = false} : vector<64x4096xf32>, vector<64x128xf32>, vector<4096x128xf32> -> vector<4096x128xf32>
    %add3A_58 = arith.addf %add3A_49, %dot_general3A_57 : vector<4096x128xf32>
    %get3A_59 = arith.constant 0 : index
    %get3A_60 = arith.constant 28672 : index
    %get3A_61 = vector.load %arg1[%get3A_59, %get3A_60] : memref<64x32768xf32, #tpu.memory_space<vmem>>, vector<64x4096xf32>
    %get3A_62 = arith.constant 0 : index
    %get3A_63 = arith.constant 896 : index
    %get3A_64 = vector.load %arg2[%get3A_62, %get3A_63] : memref<64x1024xf32, #tpu.memory_space<vmem>>, vector<64x128xf32>
    %dot_general3A_65 = arith.constant dense<0.000000e+00> : vector<4096x128xf32>
    %dot_general3A_66 = tpu.matmul %get3A_61, %get3A_64, %dot_general3A_65 {dimension_numbers = #tpu.dot_dimension_numbers<[0], [0], [1], [1], [0, 1, 1, 1], [], []>, transpose_lhs_hint = false} : vector<64x4096xf32>, vector<64x128xf32>, vector<4096x128xf32> -> vector<4096x128xf32>
    %add3A_67 = arith.addf %add3A_58, %dot_general3A_66 : vector<4096x128xf32>
    %swap3A = arith.constant 0 : index
    %swap3A_68 = arith.constant 0 : index
    %swap3A_69 = vector.load %arg3[%swap3A, %swap3A_68] : memref<4096x128xf32, #tpu.memory_space<vmem>>, vector<4096x128xf32>
    tpu.vector_store %arg3[%swap3A, %swap3A_68], %add3A_67 {strides = array<i32>} : memref<4096x128xf32, #tpu.memory_space<vmem>>, vector<4096x128xf32>,
    return
  }
  func.func @transform_0(%arg0: i32) -> (i32, i32) {
    %c0_i32 = arith.constant 0 : i32
    %c0_i32_0 = arith.constant 0 : i32
    return %c0_i32, %arg0 : i32, i32
  }
  func.func @transform_1(%arg0: i32) -> (i32, i32) {
    %c0_i32 = arith.constant 0 : i32
    %c0_i32_0 = arith.constant 0 : i32
    %c0_i32_1 = arith.constant 0 : i32
    return %c0_i32, %c0_i32_0 : i32, i32
  }
  func.func @transform_2(%arg0: i32) -> (i32, i32) {
    %c0_i32 = arith.constant 0 : i32
    %c0_i32_0 = arith.constant 0 : i32
    return %arg0, %c0_i32 : i32, i32
  }
}

module attributes {stable_mosaic.version = 14 : i64} {
  func.func @body(%arg0: memref<4096x16xf32, #tpu.memory_space<vmem>>, %arg1: memref<1x2xf32, #tpu.memory_space<vmem>>, %arg2: memref<4096x2xf32, #tpu.memory_space<vmem>>) attributes {dimension_semantics = [], scalar_prefetch = 0 : i64, scratch_operands = 0 : i64, tpu.core_type = #tpu.core_type<tc>} {
    %get3A = arith.constant 0 : index
    %get3A_0 = arith.constant 0 : index
    %get3A_1 = vector.load %arg0[%get3A, %get3A_0] : memref<4096x16xf32, #tpu.memory_space<vmem>>, vector<4096x2xf32>
    %get3A_2 = arith.constant 0 : index
    %get3A_3 = arith.constant 0 : index
    %get3A_4 = vector.load %arg1[%get3A_2, %get3A_3] : memref<1x2xf32, #tpu.memory_space<vmem>>, vector<1x2xf32>
    %add3A = vector.broadcast %get3A_4 : vector<1x2xf32> to vector<4096x2xf32>
    %add3A_5 = arith.addf %get3A_1, %add3A : vector<4096x2xf32>
    %swap3A = arith.constant 0 : index
    %swap3A_6 = arith.constant 0 : index
    %swap3A_7 = vector.load %arg2[%swap3A, %swap3A_6] : memref<4096x2xf32, #tpu.memory_space<vmem>>, vector<4096x2xf32>
    tpu.vector_store %arg2[%swap3A, %swap3A_6], %add3A_5 {strides = array<i32>} : memref<4096x2xf32, #tpu.memory_space<vmem>>, vector<4096x2xf32>,
    return
  }
}

</mosaic_0001>

<sc_bundles>
// kernel: kernel.5.cloned.1.call-start
scs
__scs_entry_jumppad:
0x0: {  	(pc) =	sbr.rel $0x88, $3  }
0x1: {  	(tag) =	ssettag $0x0;
	lr =	simm.s32 $0x1  }
0x2: {  	[smem:$0x3F9D] =	sst lr;
	_ =	strace $0xD0000000  }
0x3: {  	_ = 	snop  }
0x4: {  	_ = 	snop  }
0x5: {  	_ = 	snop  }
0x6: {  	_ = 	snop  }
0x7: {  	_ = 	snop  }
__scs_overlays_trampoline_lowered:
0x8: {  	[smem:$0x3FAC] =	sst s0  }
0x9: {  	[smem:$0x3FAD] =	sst s1  }
0xa: {  	[smem:$0x3FAE] =	sst s2  }
0xb: {  	[smem:$0x3FAF] =	sst s3  }
0xc: {  	[smem:$0x3FB0] =	sst s4  }
0xd: {  	[smem:$0x3FB1] =	sst s5  }
0xe: {  	[smem:$0x3FB2] =	sst s6  }
0xf: {  	[smem:$0x3FB3] =	sst s7  }
0x10: {  	[smem:$0x3FB4] =	sst s8  }
0x11: {  	[smem:$0x3FB5] =	sst s9;
	s0 =	simm.s32 @!p0 $0x0  }
0x12: {  	s1 =	sld [smem:$0x3F9B];
	s0 =	simm.s32 @p0 $0x1  }
0x13: {  	[smem:$0x3FB6] =	sst s0;
	s0 =	simm.s32 @!p1 $0x0  }
0x14: {  	s2 =	sld [smem:$0x3F9A];
	s0 =	simm.s32 @p1 $0x1  }
0x15: {  	[smem:$0x3FB7] =	sst s0;
	s0 =	simm.s32 @!p2 $0x0  }
0x16: {  	s3 =	sld [smem:$0x3FDB];
	s0 =	simm.s32 @p2 $0x1  }
0x17: {  	s4 =	simm.s32 $0x1BF5;
	[smem:$0x3FB9] =	sst s0  }
0x18: {  	s0 =	sld [smem:$0x3F9C];
	_ =	swait.ge [sflag:s4], $0x0  }
0x19: {  	s7 =	sld [smem:$0x3F9D]  }
0x1a: {  	s8 =	sadd.s32 $0xFFFFE003, lr  }
0x1b: {  	s9 =	sadd.s32 $0xFFFFFEF7, lr;
	s5 =	simm.s32 $0xFFFFFFFF;
	p2 =	slt.u32 s8, $0xFFFFF086  }
0x1c: {  	p1 =	slt.u32 s9, $0xF7A;
	s5 =	simm.s32 @!p2 $0x0  }
0x1d: {  	s5 =	simm.s32 @p1 $0x1;
	p0 =	seq.s32 s7, s2  }
0x1e: {  	s7 =	smul.u32 @!p0 $0xF7A, s2;
	p2 =	seq.s32 @!p0 s5, $0x0  }
0x1f: {  	s9 =	smul.u32 $0xF7A, s1;
	s8 =	simm.s32 @!p0 $0x1BF5;
	p2 =	por !p2, p0  }
0x20: {  	[sflag:s8] =	ssyncset.s32 @!p0 $0xFFFFF086;
	s6 =	sadd.s32 @!p0 s3, s7;
	s7 =	simm.s32 @!p0 $0x108  }
0x21: {  	s3 =	sadd.s32 s3, s9;
	s6 =	sadd.s32 @!p0 $0x88, s6;
	s7 =	simm.s32 @p2 $0x1082  }
0x22: {  	[simem:s7], [sflag:s8] =	dma.local @!p0 [hbm:s6], $0xF7A  }
0x23: {  	s9 =	sor.u32 $0xD0000000, s2;
	s6 =	simm.s32 $0x108;
	_ =	swait.ge @!p0 [sflag:s8], $0x0  }
0x24: {  	s3 =	sadd.s32 $0x88, s3;
	s6 =	simm.s32 @!p1 $0x1082;
	[sflag:s4] =	ssyncset.s32 $0xFFFFF086  }
0x25: {  	[simem:s6], [sflag:s4] =	dma.local [hbm:s3], $0xF7A  }
0x26: {  	[smem:$0x3F9D] =	sst s1;
	(tag) =	ssettag s2;
	_ =	strace s9  }
0x27: {  	s1 =	sld [smem:$0x3FAD]  }
0x28: {  	s2 =	sld [smem:$0x3FAE]  }
0x29: {  	s4 =	sld [smem:$0x3FB0]  }
0x2a: {  	p0 =	seq.s32 s5, $0x0;
	s5 =	sld [smem:$0x3FB1]  }
0x2b: {  	s6 =	sld [smem:$0x3FB2]  }
0x2c: {  	s7 =	sld [smem:$0x3FB3]  }
0x2d: {  	s3 =	simm.s32 $0x108;
	s8 =	sld [smem:$0x3FB4]  }
0x2e: {  	s3 =	simm.s32 @!p0 $0x1082;
	s9 =	sld [smem:$0x3FB5]  }
0x2f: {  	lr =	sadd.s32 s0, s3;
	s0 =	sld [smem:$0x3FAC]  }
0x30: {  	s3 =	sld [smem:$0x3FAF]  }
0x31: {  	[smem:$0x3FB8] =	sst s10  }
0x32: {  	s10 =	sld [smem:$0x3FB6];
	_ =	sdelay $0x3  }
0x33: {  	p0 =	seq.s32 s10, $0x1;
	s10 =	sld [smem:$0x3FB8];
	_ =	sdelay $0x3  }
0x34: {  	[smem:$0x3FB8] =	sst s10  }
0x35: {  	s10 =	sld [smem:$0x3FB7];
	_ =	sdelay $0x3  }
0x36: {  	p1 =	seq.s32 s10, $0x1;
	s10 =	sld [smem:$0x3FB8];
	_ =	sdelay $0x3  }
0x37: {  	[smem:$0x3FB8] =	sst s10  }
0x38: {  	s10 =	sld [smem:$0x3FB9]  }
0x39: {  	_ = 	snop;
	(pc) =	sbr.ind lr, $3  }
0x3a: {  	_ = 	snop  }
0x3b: {  	_ = 	snop  }
0x3c: {  	p2 =	seq.s32 s10, $0x1;
	s10 =	sld [smem:$0x3FB8]  }
0x3d: {  	_ =	shalt  }
0x3e: {  	_ =	shalt  }
0x3f: {  	_ =	shalt  }
0x40: {  	_ =	shalt  }
0x41: {  	_ =	shalt  }
0x42: {  	_ =	shalt  }
0x43: {  	_ =	shalt  }
0x44: {  	_ =	shalt  }
0x45: {  	_ =	shalt  }
0x46: {  	_ =	shalt  }
0x47: {  	_ =	shalt  }
0x48: {  	_ =	shalt  }
0x49: {  	_ =	shalt  }
0x4a: {  	_ =	shalt  }
0x4b: {  	_ =	shalt  }
0x4c: {  	_ =	shalt  }
0x4d: {  	_ =	shalt  }
0x4e: {  	_ =	shalt  }
0x4f: {  	_ =	shalt  }
0x50: {  	_ =	shalt  }
0x51: {  	_ =	shalt  }
0x52: {  	_ =	shalt  }
0x53: {  	_ =	shalt  }
0x54: {  	_ =	shalt  }
0x55: {  	_ =	shalt  }
0x56: {  	_ =	shalt  }
0x57: {  	_ =	shalt  }
0x58: {  	_ =	shalt  }
0x59: {  	_ =	shalt  }
0x5a: {  	_ =	shalt  }
0x5b: {  	_ =	shalt  }
0x5c: {  	_ =	shalt  }
0x5d: {  	_ =	shalt  }
0x5e: {  	_ =	shalt  }
0x5f: {  	_ =	shalt  }
0x60: {  	_ =	shalt  }
0x61: {  	_ =	shalt  }
0x62: {  	_ =	shalt  }
0x63: {  	_ =	shalt  }
0x64: {  	_ =	shalt  }
0x65: {  	_ =	shalt  }
0x66: {  	_ =	shalt  }
0x67: {  	_ =	shalt  }
0x68: {  	_ =	shalt  }
0x69: {  	_ =	shalt  }
0x6a: {  	_ =	shalt  }
0x6b: {  	_ =	shalt  }
0x6c: {  	_ =	shalt  }
0x6d: {  	_ =	shalt  }
0x6e: {  	_ =	shalt  }
0x6f: {  	_ =	shalt  }
0x70: {  	_ =	shalt  }
0x71: {  	_ =	shalt  }
0x72: {  	_ =	shalt  }
0x73: {  	_ =	shalt  }
0x74: {  	_ =	shalt  }
0x75: {  	_ =	shalt  }
0x76: {  	_ =	shalt  }
0x77: {  	_ =	shalt  }
0x78: {  	_ =	shalt  }
0x79: {  	_ =	shalt  }
0x7a: {  	_ =	shalt  }
0x7b: {  	_ =	shalt  }
0x7c: {  	_ =	shalt  }
0x7d: {  	_ =	shalt  }
0x7e: {  	_ =	shalt  }
0x7f: {  	_ =	shalt  }
0x80: {  	_ =	shalt  }
0x81: {  	_ =	shalt  }
0x82: {  	_ =	shalt  }
0x83: {  	_ =	shalt  }
0x84: {  	_ =	shalt  }
0x85: {  	_ =	shalt  }
0x86: {  	_ =	shalt  }
0x87: {  	_ =	shalt  }
.Lfunc_end0:
.L_simem_size_0:
called_computation_lowered:
.L_overlay_start_0:
0x88: {  	s2 =	sld [smem:$0x3FD9]  }
0x89: {  	s3 =	sld [smem:$0x3FFE];
	_ =	sdelay $0x1  }
0x8a: {  	s1 =	srdreg.scid  }
0x8b: {  	s0 =	sand.u32 $0x1, s1  }
0x8c: {  	s16 =	sshll.u32 s0, $0xA;
	s2 =	sadd.s32 s3, s2  }
0x8d: {  	s2 =	sadd.s32 s2, s16  }
0x8e: {  	[smem:$0x3FC4] =	sst s2  }
0x8f: {  	_ = 	snop  }
0x90: {  	(tm) =	ssettm $0x1  }
0x91: {  	s17 =	sld [smem:$0x3FFB];
	_ =	sdelay $0x3  }
0x92: {  	_ =	strace s17  }
0x93: {  	s2 =	sld [smem:$0x3FFC];
	_ =	sdelay $0x3  }
0x94: {  	_ =	strace s2  }
0x95: {  	s2 =	sld [smem:$0x3FFD];
	_ =	sdelay $0x3  }
0x96: {  	_ =	strace s2  }
0x97: {  	_ =	strace $0x8FFFFFFF  }
0x98: {  	s18 =	sld [smem:$0x3FDB];
	_ =	sdelay $0x1  }
0x99: {  	s19 =	simm.s32 $_scs_section_size  }
0x9a: {  	s4 =	simm.s32 $_size__tile_overlayer_lowered;
	s5 =	simm.s32 $_tile_overlayer_lowered  }
0x9b: {  	s22 =	simm.s32 $0x1BFF;
	s21 =	sshll.u32 s5, $0x1;
	s2 =	sadd.s32 s19, s18  }
0x9c: {  	s6 =	simm.s32 $0x0;
	s20 =	sshll.u32 s4, $0x1;
	s4 =	sadd.s32 s21, s2  }
0x9d: {  	[timem:s6], [sflag:s22] =	dma.local [hbm:s4], s20  }
0x9e: {  	_ =	swait.ge [sflag:s22], s20  }
0x9f: {  	s3 =	ssub.s32 $0x0, s20;
	[sflag:s22] =	ssyncset.done $0x0  }
0xa0: {  	[sflag:s22] =	ssyncadd.s32 s3;
	_ =	sdelay $0x1  }
0xa1: {  	s23 =	simm.s32 $0x1B8B  }
0xa2: {  	_ =	swait.ge [sflag:s23], $0x1  }
0xa3: {  	[sflag:s23] =	ssyncset.done $0x0  }
0xa4: {  	s25 =	simm.s32 $0x1B8E;
	s24 =	sld [smem:$0x3FFE];
	[sflag:s23] =	ssyncadd.s32 $0xFFFFFFFF  }
0xa5: {  	s26 =	simm.s32 $execute0_lowered;
	[smem:$0x3FD2] =	sst s25  }
0xa6: {  	s4 =	sshll.u32 s26, $0x1;
	_ =	strace $0x80000046;
	[dreg:$0x1] =	wrdreg $0xFFFFFFFF  }
0xa7: {  	s28 =	simm.s32 $_size_execute0_lowered;
	s2 =	sadd.s32 s2, s4;
	[dreg:$0x0] =	wrdreg $0x0  }
0xa8: {  	s4 =	sshll.u32 s28, $0x1;
	[dreg:$0x2] =	wrdreg s2  }
0xa9: {  	[dreg:$0x3] =	wrdreg s4  }
0xaa: {  	[dreg:$0x4] =	wrdreg $0xC0  }
0xab: {  	_ =	task [dreg:s6], $0x5FFFF  }
0xac: {  	[dreg:$0x1] =	wrdreg $0xFFFFFFFF  }
0xad: {  	[dreg:$0x0] =	wrdreg $0x60  }
0xae: {  	[dreg:$0x2] =	wrdreg s24  }
0xaf: {  	[dreg:$0x3] =	wrdreg $0x9  }
0xb0: {  	_ =	task.clear_ibuf [dreg:s6], $0x4FFFF;
	_ =	strace $0x90000046  }
0xb1: {  	s29 =	simm.s32 $0x9;
	_ =	strace $0x80000048  }
0xb2: {  	_ =	swait.ge [sflag:s29], $0x1  }
0xb3: {  	[sflag:s29] =	ssyncadd.s32 $0xFFFFFFFF  }
0xb4: {  	_ =	strace $0x90000048  }
0xb5: {  	_ =	sfence  }
0xb6: {  	s30 =	sld [smem:$0x0];
	_ =	sdelay $0x2  }
0xb7: {  	s31 =	sshll.u32 s1, $0xD;
	s1 =	sshrl.u32 s1, $0x2  }
0xb8: {  	s3 =	sand.u32 $0x4000, s31;
	s1 =	sadd.s32 s1, s30  }
0xb9: {  	s0 =	sor.u32 s3, s0;
	s1 =	sshll.u32 s1, $0x11  }
0xba: {  	s0 =	sor.u32 s1, s0  }
0xbb: {  	s0 =	sadd.s32 $0x8F2B, s0  }
0xbc: {  	[sflag:s0] =	ssyncadd.remote.s32 $0x1  }
0xbd: {  	_ =	sfence.sel $0xFFFF  }
0xbe: {  	[dreg:$0x0] =	wrdreg $0xFFFFFFFF;
	(pc) =	sbr.abs _section_cstart, $3  }
0xbf: {  	[dreg:$0x1] =	wrdreg $0xFFFFFFFF  }
0xc0: {  	_ =	task.clear_ibuf [dreg:s6], $0x2FFFF;
	_ =	strace $0x9FFFFFFF  }
0xc1: {  	(tm) =	ssettm $0x7FFFFFFF  }
tec
execute0_lowered:
.L_overlay_start_1:
0x0: {  	(tag) =	ssettag $0x1  }
0x1: {  	s4 =	rddreg [dreg:$0x0];
	s2 =	srdreg.scid  }
0x2: {  	s0 =	rddreg [dreg:$0x1];
	s1 =	stileid.u32  }
0x3: {  	s9 =	simm.s32 $0x2;
	s10 =	simm.s32 $0x6400;
	s11 =	simm.s32 $0x100  }
0x4: {  	s12 =	simm.s32 $0x180;
	s13 =	simm.s32 $0x200;
	s14 =	simm.s32 $0x280  }
0x5: {  	s15 =	simm.s32 $0x300;
	s16 =	simm.s32 $0x380;
	s17 =	simm.s32 $0x1  }
0x6: {  	s18 =	simm.s32 $0x0;
	s3 =	sand.u32 $0x1, s2;
	s2 =	simm.s32 $0x0  }
0x7: {  	s5 =	sshll.u32 s1, $0x8;
	s6 =	sshll.u32 s3, $0x7;
	[smem:$0x7FF] =	sst s2  }
0x8: {  	s7 =	ssub.s32 $0x2, s3;
	s3 =	sadd.s32 $0x19600, s4;
	s5 =	sor.u32 s6, s5  }
0x9: {  	_ =	strace $0x80000047;
	s8 =	sshrl.u32 s7, $0x1;
	s6 =	sshrl.u32 s5, $0x3  }
0xa: {  	s5 =	sshll.u32 s5, $0x1;
	s7 =	ssub.s32 s7, s8;
	s6 =	sadd.s32 s6, s4  }
0xb: {  	s8 =	simm.s32 $0x1000;
	s5 =	sadd.s32 s5, s4;
	s4 =	sadd.s32 $0x600, s6  }
0xc: {  	v0 =	vimm.f32 $0.0e+00;
	s5 =	sadd.s32 $0x209600, s5;
	s6 =	smax.u32 s7, $0x1;
	s7 =	simm.s32 $0x80  }
.LBB2_1:
0xd: {  	[tilespmem:s2], [sflag:$0x2] =	stream.strided.gather [hbm4b:s4+s7], $0x6400, s8, s7, $0x38;
	[tilespmem:$0x6C00] =	vst v63  }
0xe: {  	_ =	swait.ge [sflag:s9], $0x6400  }
0xf: {  	[sflag:s9] =	ssyncset.done $0x0  }
0x10: {  	s19 =	simm.s32 $0x0;
	[sflag:s9] =	ssyncadd.s32 $0xFFFF9C00  }
0x11: {  	v1 =	vld [tilespmem:s19+$0x0]  }
0x12: {  	v2 =	vld [tilespmem:s19+$0x10]  }
0x13: {  	v6 =	vld [tilespmem:s19+$0x30];
	_ =	sdelay $0x2  }
0x14: {  	v3 =	vshll.u32 v1, $0x3  }
0x15: {  	v4 =	vld [tilespmem:s19+$0x20];
	v5 =	vand.u32 $0xFFFF8000, v1;
	v1 =	vshrl.u32 v1, $0xC;
	v7 =	vand.u32 $0xFFFF8000, v2  }
0x16: {  	v8 =	vshll.u32 v6, $0x3;
	v10 =	vand.u32 $0xFFFF8000, v6;
	v6 =	vshrl.u32 v6, $0xC  }
0x17: {  	v3 =	vand.u32 $0x7FF8, v3;
	v1 =	vand.u32 $0x7, v1;
	v8 =	vand.u32 $0x7FF8, v8  }
0x18: {  	v9 =	vld [tilespmem:s19+$0x40];
	v3 =	vor.u32 v5, v3;
	v5 =	vshll.u32 v2, $0x3;
	v2 =	vshrl.u32 v2, $0xC  }
0x19: {  	v8 =	vor.u32 v10, v8;
	v10 =	vand.u32 $0x7, v6;
	v5 =	vand.u32 $0x7FF8, v5  }
0x1a: {  	v6 =	vld [tilespmem:s19+$0x50];
	v1 =	vor.u32 v1, v3;
	v3 =	vor.u32 v7, v5;
	v7 =	vshll.u32 v4, $0x3  }
0x1b: {  	v5 =	vand.u32 $0xFFFF8000, v4;
	v4 =	vshrl.u32 v4, $0xC;
	v7 =	vand.u32 $0x7FF8, v7  }
0x1c: {  	v2 =	vand.u32 $0x7, v2;
	v4 =	vand.u32 $0x7, v4;
	v7 =	vor.u32 v5, v7  }
0x1d: {  	v5 =	vor.u32 v2, v3;
	v2 =	vor.u32 v10, v8;
	v3 =	vld [tilespmem:s19+$0x60];
	v8 =	vshll.u32 v9, $0x3  }
0x1e: {  	s20 =	simm.s32 $0x200;
	v4 =	vor.u32 v4, v7;
	v7 =	vand.u32 $0xFFFF8000, v9;
	v9 =	vshrl.u32 v9, $0xC  }
.LBB2_2:
0x1f: {  	p0 =	sne.s32 s20, $0x18E00;
	v8 =	vand.u32 $0x7FF8, v8;
	v9 =	vand.u32 $0x7, v9;
	v10 =	vshll.u32 v6, $0x3;
	v11 =	vld [tilespmem:s19+$0x70]  }
0x20: {  	v12 =	vand.u32 $0xFFFF8000, v6;
	v6 =	vshrl.u32 v6, $0xC;
	v10 =	vand.u32 $0x7FF8, v10  }
0x21: {  	s21 =	sshra.s32 s20, $0x2;
	v6 =	vand.u32 $0x7, v6;
	[tilespmem:s19+$0x0] =	vst v1;
	v1 =	vor.u32 v7, v8;
	v7 =	vor.u32 v12, v10  }
0x22: {  	v8 =	vld [tilespmem:s21+$0x0];
	[tilespmem:s19+$0x10] =	vst v5;
	v1 =	vor.u32 v9, v1;
	v5 =	vor.u32 v6, v7;
	v6 =	vshll.u32 v3, $0x3  }
0x23: {  	[tilespmem:s19+$0x20] =	vst v4;
	v4 =	vand.u32 $0xFFFF8000, v3;
	v6 =	vand.u32 $0x7FF8, v6;
	v3 =	vshrl.u32 v3, $0xC  }
0x24: {  	v7 =	vld [tilespmem:s21+$0x10];
	[tilespmem:s19+$0x30] =	vst v2;
	v2 =	vor.u32 v4, v6;
	v3 =	vand.u32 $0x7, v3;
	v4 =	vshll.u32 v11, $0x3  }
0x25: {  	v6 =	vshrl.u32 v11, $0xC;
	[tilespmem:s19+$0x40] =	vst v1;
	v1 =	vand.u32 $0xFFFF8000, v11;
	v4 =	vand.u32 $0x7FF8, v4  }
0x26: {  	v2 =	vor.u32 v3, v2;
	v3 =	vand.u32 $0x7, v6;
	[tilespmem:s19+$0x50] =	vst v5;
	v1 =	vor.u32 v1, v4  }
0x27: {  	v4 =	vshll.u32 v8, $0x3;
	v5 =	vld [tilespmem:s21+$0x20];
	[tilespmem:s19+$0x60] =	vst v2;
	v1 =	vor.u32 v3, v1  }
0x28: {  	v2 =	vand.u32 $0xFFFF8000, v8;
	v3 =	vand.u32 $0x7FF8, v4;
	v4 =	vshrl.u32 v8, $0xC;
	v8 =	vld [tilespmem:s21+$0x30];
	[tilespmem:s19+$0x70] =	vst v1;
	s19 =	smov.u32 s21  }
0x29: {  	v1 =	vor.u32 v2, v3;
	v2 =	vand.u32 $0x7, v4;
	v3 =	vshll.u32 v7, $0x3  }
0x2a: {  	v4 =	vand.u32 $0xFFFF8000, v7;
	v6 =	vshrl.u32 v7, $0xC;
	v3 =	vand.u32 $0x7FF8, v3  }
0x2b: {  	v1 =	vor.u32 v2, v1;
	v2 =	vor.u32 v4, v3;
	v3 =	vand.u32 $0x7, v6  }
0x2c: {  	v4 =	vand.u32 $0xFFFF8000, v5;
	v6 =	vshll.u32 v5, $0x3;
	v5 =	vshrl.u32 v5, $0xC;
	v9 =	vld [tilespmem:s19+$0x40]  }
.Ltmp0:
0x2d: {  	v7 =	vand.u32 $0x7FF8, v6;
	v10 =	vand.u32 $0x7, v5;
	v5 =	vshll.u32 v8, $0x3;
	v6 =	vld [tilespmem:s19+$0x50];
	(pc) =	sbr.rel @p0 .LBB2_2-.Ltmp0, $4  }
0x2e: {  	v11 =	vand.u32 $0xFFFF8000, v8;
	v8 =	vshrl.u32 v8, $0xC;
	v5 =	vand.u32 $0x7FF8, v5  }
0x2f: {  	v4 =	vor.u32 v4, v7;
	v8 =	vand.u32 $0x7, v8;
	v7 =	vor.u32 v11, v5  }
0x30: {  	v5 =	vor.u32 v3, v2;
	v4 =	vor.u32 v10, v4;
	v2 =	vor.u32 v8, v7;
	v3 =	vld [tilespmem:s19+$0x60]  }
0x31: {  	s20 =	sadd.s32 $0x200, s20;
	v7 =	vand.u32 $0xFFFF8000, v9;
	v8 =	vshll.u32 v9, $0x3;
	v9 =	vshrl.u32 v9, $0xC  }
0x32: {  	v8 =	vand.u32 $0x7FF8, v8;
	v9 =	vand.u32 $0x7, v9;
	v10 =	vshll.u32 v6, $0x3;
	v11 =	vld [tilespmem:s19+$0x70]  }
0x33: {  	v12 =	vand.u32 $0xFFFF8000, v6;
	v57 =	vshrl.u32 v6, $0xC;
	v10 =	vand.u32 $0x7FF8, v10  }
0x34: {  	[tilespmem:s19+$0x0] =	vst v1;
	v1 =	vor.u32 v7, v8;
	v6 =	vand.u32 $0x7, v57;
	v58 =	vor.u32 v12, v10  }
0x35: {  	[tilespmem:s19+$0x10] =	vst v5;
	v1 =	vor.u32 v9, v1;
	v59 =	vor.u32 v6, v58;
	v60 =	vshll.u32 v3, $0x3  }
0x36: {  	[tilespmem:s19+$0x20] =	vst v4;
	v61 =	vand.u32 $0xFFFF8000, v3;
	v3 =	vshrl.u32 v3, $0xC;
	v6 =	vand.u32 $0x7FF8, v60  }
0x37: {  	[tilespmem:s19+$0x30] =	vst v2;
	v3 =	vand.u32 $0x7, v3;
	v2 =	vor.u32 v61, v6;
	v62 =	vshll.u32 v11, $0x3  }
0x38: {  	[tilespmem:s19+$0x40] =	vst v1;
	v1 =	vand.u32 $0xFFFF8000, v11;
	v63 =	vshrl.u32 v11, $0xC;
	v4 =	vand.u32 $0x7FF8, v62  }
0x39: {  	[tilespmem:s19+$0x50] =	vst v59;
	v2 =	vor.u32 v3, v2;
	v3 =	vand.u32 $0x7, v63;
	v1 =	vor.u32 v1, v4  }
0x3a: {  	[tilespmem:s19+$0x60] =	vst v2;
	v1 =	vor.u32 v3, v1  }
0x3b: {  	s20 =	simm.s32 $0x0;
	[tilespmem:s19+$0x70] =	vst v1;
	s19 =	simm.s32 $0x40  }
.LBB2_4:
0x3c: {  	p0 =	sne.s32 s19, $0x1FC0;
	[tilespmem:s20+$0x6400] =	vst v0;
	s20 =	smov.u32 s19;
	s19 =	sadd.s32 $0x40, s19  }
.Ltmp1:
0x3d: {  	(pc) =	sbr.rel @p0 .LBB2_4-.Ltmp1, $2  }
0x3e: {  	_ =	sdelay $0x2  }
0x3f: {  	s20 =	sshra.s32 s20, $0x2  }
0x40: {  	[tilespmem:s20+$0x6400] =	vst v0;
	s19 =	simm.s32 $0x0  }
0x41: {  	[tilespmem:s10], [sflag:$0x1] =	stream.indirect.gather.add.f32 [hbm:s3], $0x10, s19, s7, $0xb8;
	[tilespmem:$0x6C00] =	vst v63  }
0x42: {  	_ = 	snop  }
0x43: {  	[tilespmem:s10], [sflag:$0x1] =	stream.indirect.gather.add.f32 [hbm:s3], $0x10, s7, s7, $0xb8;
	[tilespmem:$0x6C00] =	vst v63  }
0x44: {  	_ = 	snop  }
0x45: {  	[tilespmem:s10], [sflag:$0x1] =	stream.indirect.gather.add.f32 [hbm:s3], $0x10, s11, s7, $0xb8;
	[tilespmem:$0x6C00] =	vst v63  }
0x46: {  	_ = 	snop  }
0x47: {  	[tilespmem:s10], [sflag:$0x1] =	stream.indirect.gather.add.f32 [hbm:s3], $0x10, s12, s7, $0xb8;
	[tilespmem:$0x6C00] =	vst v63  }
0x48: {  	_ = 	snop  }
0x49: {  	[tilespmem:s10], [sflag:$0x1] =	stream.indirect.gather.add.f32 [hbm:s3], $0x10, s13, s7, $0xb8;
	[tilespmem:$0x6C00] =	vst v63  }
0x4a: {  	_ = 	snop  }
0x4b: {  	[tilespmem:s10], [sflag:$0x1] =	stream.indirect.gather.add.f32 [hbm:s3], $0x10, s14, s7, $0xb8;
	[tilespmem:$0x6C00] =	vst v63  }
0x4c: {  	_ = 	snop  }
0x4d: {  	[tilespmem:s10], [sflag:$0x1] =	stream.indirect.gather.add.f32 [hbm:s3], $0x10, s15, s7, $0xb8;
	[tilespmem:$0x6C00] =	vst v63  }
0x4e: {  	_ = 	snop  }
0x4f: {  	[tilespmem:s10], [sflag:$0x1] =	stream.indirect.gather.add.f32 [hbm:s3], $0x10, s16, s7, $0xb8;
	[tilespmem:$0x6C00] =	vst v63  }
0x50: {  	s23 =	simm.s32 $0x400  }
0x51: {  	[tilespmem:s10], [sflag:$0x1] =	stream.indirect.gather.add.f32 [hbm:s3], $0x10, s23, s7, $0xb8;
	[tilespmem:$0x6C00] =	vst v63  }
0x52: {  	s24 =	simm.s32 $0x480  }
0x53: {  	[tilespmem:s10], [sflag:$0x1] =	stream.indirect.gather.add.f32 [hbm:s3], $0x10, s24, s7, $0xb8;
	[tilespmem:$0x6C00] =	vst v63  }
0x54: {  	s25 =	simm.s32 $0x500  }
0x55: {  	[tilespmem:s10], [sflag:$0x1] =	stream.indirect.gather.add.f32 [hbm:s3], $0x10, s25, s7, $0xb8;
	[tilespmem:$0x6C00] =	vst v63  }
0x56: {  	s26 =	simm.s32 $0x580  }
0x57: {  	[tilespmem:s10], [sflag:$0x1] =	stream.indirect.gather.add.f32 [hbm:s3], $0x10, s26, s7, $0xb8;
	[tilespmem:$0x6C00] =	vst v63  }
0x58: {  	s28 =	simm.s32 $0x600  }
0x59: {  	[tilespmem:s10], [sflag:$0x1] =	stream.indirect.gather.add.f32 [hbm:s3], $0x10, s28, s7, $0xb8;
	[tilespmem:$0x6C00] =	vst v63  }
0x5a: {  	s29 =	simm.s32 $0x680  }
0x5b: {  	[tilespmem:s10], [sflag:$0x1] =	stream.indirect.gather.add.f32 [hbm:s3], $0x10, s29, s7, $0xb8;
	[tilespmem:$0x6C00] =	vst v63  }
0x5c: {  	s30 =	simm.s32 $0x700  }
0x5d: {  	[tilespmem:s10], [sflag:$0x1] =	stream.indirect.gather.add.f32 [hbm:s3], $0x10, s30, s7, $0xb8;
	[tilespmem:$0x6C00] =	vst v63  }
0x5e: {  	s31 =	simm.s32 $0x780  }
0x5f: {  	[tilespmem:s10], [sflag:$0x1] =	stream.indirect.gather.add.f32 [hbm:s3], $0x10, s31, s7, $0xb8;
	[tilespmem:$0x6C00] =	vst v63  }
0x60: {  	_ =	swait.ge [sflag:s17], $0x800  }
0x61: {  	[sflag:s17] =	ssyncset.done $0x0  }
0x62: {  	[sflag:s17] =	ssyncadd.s32 $0xFFFFF800  }
0x63: {  	_ =	swait.ge [sflag:s17], $0x800  }
0x64: {  	[sflag:s17] =	ssyncset.done $0x0  }
0x65: {  	[sflag:s17] =	ssyncadd.s32 $0xFFFFF800  }
0x66: {  	_ =	swait.ge [sflag:s17], $0x800  }
0x67: {  	[sflag:s17] =	ssyncset.done $0x0  }
0x68: {  	[sflag:s17] =	ssyncadd.s32 $0xFFFFF800  }
0x69: {  	_ =	swait.ge [sflag:s17], $0x800  }
0x6a: {  	[sflag:s17] =	ssyncset.done $0x0  }
0x6b: {  	[sflag:s17] =	ssyncadd.s32 $0xFFFFF800  }
0x6c: {  	_ =	swait.ge [sflag:s17], $0x800  }
0x6d: {  	[sflag:s17] =	ssyncset.done $0x0  }
0x6e: {  	[sflag:s17] =	ssyncadd.s32 $0xFFFFF800  }
0x6f: {  	_ =	swait.ge [sflag:s17], $0x800  }
0x70: {  	[sflag:s17] =	ssyncset.done $0x0  }
0x71: {  	[sflag:s17] =	ssyncadd.s32 $0xFFFFF800  }
0x72: {  	_ =	swait.ge [sflag:s17], $0x800  }
0x73: {  	[sflag:s17] =	ssyncset.done $0x0  }
0x74: {  	[sflag:s17] =	ssyncadd.s32 $0xFFFFF800  }
0x75: {  	_ =	swait.ge [sflag:s17], $0x800  }
0x76: {  	s22 =	simm.s32 $0x2000;
	s21 =	simm.s32 $0x400;
	[sflag:s17] =	ssyncset.done $0x0  }
.LBB2_6:
0x77: {  	s23 =	sadd.s32 $0x400, s21  }
0x78: {  	[sflag:s17] =	ssyncadd.s32 $0xFFFFF800;
	s20 =	smov.u32 s22;
	s19 =	sadd.s32 $0x1000, s22  }
0x79: {  	[tilespmem:s10], [sflag:$0x1] =	stream.indirect.gather.add.f32 [hbm:s3], $0x10, s23, s7, $0xb8;
	[tilespmem:$0x6C00] =	vst v63  }
0x7a: {  	p0 =	sne.s32 s22, $0x17000;
	s22 =	sadd.s32 $0x480, s21  }
0x7b: {  	[tilespmem:s10], [sflag:$0x1] =	stream.indirect.gather.add.f32 [hbm:s3], $0x10, s22, s7, $0xb8;
	[tilespmem:$0x6C00] =	vst v63  }
0x7c: {  	s22 =	sadd.s32 $0x500, s21  }
0x7d: {  	[tilespmem:s10], [sflag:$0x1] =	stream.indirect.gather.add.f32 [hbm:s3], $0x10, s22, s7, $0xb8;
	[tilespmem:$0x6C00] =	vst v63  }
0x7e: {  	s22 =	sadd.s32 $0x580, s21  }
0x7f: {  	[tilespmem:s10], [sflag:$0x1] =	stream.indirect.gather.add.f32 [hbm:s3], $0x10, s22, s7, $0xb8;
	[tilespmem:$0x6C00] =	vst v63  }
0x80: {  	s22 =	sadd.s32 $0x600, s21  }
0x81: {  	[tilespmem:s10], [sflag:$0x1] =	stream.indirect.gather.add.f32 [hbm:s3], $0x10, s22, s7, $0xb8;
	[tilespmem:$0x6C00] =	vst v63  }
0x82: {  	s22 =	sadd.s32 $0x680, s21  }
0x83: {  	[tilespmem:s10], [sflag:$0x1] =	stream.indirect.gather.add.f32 [hbm:s3], $0x10, s22, s7, $0xb8;
	[tilespmem:$0x6C00] =	vst v63  }
0x84: {  	s22 =	sadd.s32 $0x700, s21  }
0x85: {  	[tilespmem:s10], [sflag:$0x1] =	stream.indirect.gather.add.f32 [hbm:s3], $0x10, s22, s7, $0xb8;
	[tilespmem:$0x6C00] =	vst v63  }
0x86: {  	s21 =	sadd.s32 $0x780, s21  }
0x87: {  	[tilespmem:s10], [sflag:$0x1] =	stream.indirect.gather.add.f32 [hbm:s3], $0x10, s21, s7, $0xb8;
	[tilespmem:$0x6C00] =	vst v63  }
0x88: {  	_ =	swait.ge [sflag:s17], $0x800  }
0x89: {  	[sflag:s17] =	ssyncset.done $0x0  }
0x8a: {  	[sflag:s17] =	ssyncadd.s32 $0xFFFFF800  }
0x8b: {  	_ =	swait.ge [sflag:s17], $0x800  }
0x8c: {  	[sflag:s17] =	ssyncset.done $0x0  }
0x8d: {  	[sflag:s17] =	ssyncadd.s32 $0xFFFFF800  }
0x8e: {  	_ =	swait.ge [sflag:s17], $0x800  }
0x8f: {  	[sflag:s17] =	ssyncset.done $0x0  }
0x90: {  	[sflag:s17] =	ssyncadd.s32 $0xFFFFF800  }
0x91: {  	_ =	swait.ge [sflag:s17], $0x800  }
0x92: {  	[sflag:s17] =	ssyncset.done $0x0  }
0x93: {  	[sflag:s17] =	ssyncadd.s32 $0xFFFFF800  }
0x94: {  	_ =	swait.ge [sflag:s17], $0x800  }
0x95: {  	[sflag:s17] =	ssyncset.done $0x0  }
0x96: {  	[sflag:s17] =	ssyncadd.s32 $0xFFFFF800  }
0x97: {  	_ =	swait.ge [sflag:s17], $0x800  }
0x98: {  	[sflag:s17] =	ssyncset.done $0x0  }
0x99: {  	[sflag:s17] =	ssyncadd.s32 $0xFFFFF800  }
.Ltmp2:
0x9a: {  	_ =	swait.ge [sflag:s17], $0x800;
	(pc) =	sbr.rel @p0 .LBB2_6-.Ltmp2, $4  }
0x9b: {  	[sflag:s17] =	ssyncset.done $0x0  }
0x9c: {  	[sflag:s17] =	ssyncadd.s32 $0xFFFFF800  }
0x9d: {  	_ =	swait.ge [sflag:s17], $0x800  }
0x9e: {  	s22 =	smov.u32 s19;
	s21 =	sshra.s32 s20, $0x2;
	[sflag:s17] =	ssyncset.done $0x0  }
0x9f: {  	s19 =	sadd.s32 $0x400, s21;
	[sflag:s17] =	ssyncadd.s32 $0xFFFFF800  }
0xa0: {  	[tilespmem:s10], [sflag:$0x1] =	stream.indirect.gather.add.f32 [hbm:s3], $0x10, s19, s7, $0xb8;
	[tilespmem:$0x6C00] =	vst v63  }
0xa1: {  	s24 =	sadd.s32 $0x480, s21  }
0xa2: {  	[tilespmem:s10], [sflag:$0x1] =	stream.indirect.gather.add.f32 [hbm:s3], $0x10, s24, s7, $0xb8;
	[tilespmem:$0x6C00] =	vst v63  }
0xa3: {  	s25 =	sadd.s32 $0x500, s21  }
0xa4: {  	[tilespmem:s10], [sflag:$0x1] =	stream.indirect.gather.add.f32 [hbm:s3], $0x10, s25, s7, $0xb8;
	[tilespmem:$0x6C00] =	vst v63  }
0xa5: {  	s26 =	sadd.s32 $0x580, s21  }
0xa6: {  	[tilespmem:s10], [sflag:$0x1] =	stream.indirect.gather.add.f32 [hbm:s3], $0x10, s26, s7, $0xb8;
	[tilespmem:$0x6C00] =	vst v63  }
0xa7: {  	s28 =	sadd.s32 $0x600, s21  }
0xa8: {  	[tilespmem:s10], [sflag:$0x1] =	stream.indirect.gather.add.f32 [hbm:s3], $0x10, s28, s7, $0xb8;
	[tilespmem:$0x6C00] =	vst v63  }
0xa9: {  	s29 =	sadd.s32 $0x680, s21  }
0xaa: {  	[tilespmem:s10], [sflag:$0x1] =	stream.indirect.gather.add.f32 [hbm:s3], $0x10, s29, s7, $0xb8;
	[tilespmem:$0x6C00] =	vst v63  }
0xab: {  	s30 =	sadd.s32 $0x700, s21  }
0xac: {  	[tilespmem:s10], [sflag:$0x1] =	stream.indirect.gather.add.f32 [hbm:s3], $0x10, s30, s7, $0xb8;
	[tilespmem:$0x6C00] =	vst v63  }
0xad: {  	s31 =	sadd.s32 $0x780, s21  }
0xae: {  	[tilespmem:s10], [sflag:$0x1] =	stream.indirect.gather.add.f32 [hbm:s3], $0x10, s31, s7, $0xb8;
	[tilespmem:$0x6C00] =	vst v63  }
0xaf: {  	_ =	swait.ge [sflag:s17], $0x800  }
0xb0: {  	[sflag:s17] =	ssyncset.done $0x0  }
0xb1: {  	[sflag:s17] =	ssyncadd.s32 $0xFFFFF800  }
0xb2: {  	_ =	swait.ge [sflag:s17], $0x800  }
0xb3: {  	[sflag:s17] =	ssyncset.done $0x0  }
0xb4: {  	[sflag:s17] =	ssyncadd.s32 $0xFFFFF800  }
0xb5: {  	_ =	swait.ge [sflag:s17], $0x800  }
0xb6: {  	[sflag:s17] =	ssyncset.done $0x0  }
0xb7: {  	[sflag:s17] =	ssyncadd.s32 $0xFFFFF800  }
0xb8: {  	_ =	swait.ge [sflag:s17], $0x800  }
0xb9: {  	[sflag:s17] =	ssyncset.done $0x0  }
0xba: {  	[sflag:s17] =	ssyncadd.s32 $0xFFFFF800  }
0xbb: {  	_ =	swait.ge [sflag:s17], $0x800  }
0xbc: {  	[sflag:s17] =	ssyncset.done $0x0  }
0xbd: {  	[sflag:s17] =	ssyncadd.s32 $0xFFFFF800  }
0xbe: {  	_ =	swait.ge [sflag:s17], $0x800  }
0xbf: {  	[sflag:s17] =	ssyncset.done $0x0  }
0xc0: {  	[sflag:s17] =	ssyncadd.s32 $0xFFFFF800  }
0xc1: {  	_ =	swait.ge [sflag:s17], $0x800  }
0xc2: {  	[sflag:s17] =	ssyncset.done $0x0  }
0xc3: {  	[sflag:s17] =	ssyncadd.s32 $0xFFFFF800  }
0xc4: {  	_ =	swait.ge [sflag:s17], $0x800  }
0xc5: {  	[sflag:s17] =	ssyncset.done $0x0  }
0xc6: {  	[sflag:s17] =	ssyncadd.s32 $0xFFFFF800  }
0xc7: {  	_ =	swait.ge [sflag:s17], $0x800  }
0xc8: {  	[sflag:s17] =	ssyncset.done $0x0  }
0xc9: {  	[sflag:s17] =	ssyncadd.s32 $0xFFFFF800  }
0xca: {  	_ =	swait.ge [sflag:s17], $0x800  }
0xcb: {  	[sflag:s17] =	ssyncset.done $0x0  }
0xcc: {  	[sflag:s17] =	ssyncadd.s32 $0xFFFFF800  }
0xcd: {  	_ =	swait.ge [sflag:s17], $0x800  }
0xce: {  	[sflag:s17] =	ssyncset.done $0x0  }
0xcf: {  	[sflag:s17] =	ssyncadd.s32 $0xFFFFF800  }
0xd0: {  	_ =	swait.ge [sflag:s17], $0x800  }
0xd1: {  	[sflag:s17] =	ssyncset.done $0x0  }
0xd2: {  	[sflag:s17] =	ssyncadd.s32 $0xFFFFF800  }
0xd3: {  	_ =	swait.ge [sflag:s17], $0x800  }
0xd4: {  	[sflag:s17] =	ssyncset.done $0x0  }
0xd5: {  	[sflag:s17] =	ssyncadd.s32 $0xFFFFF800  }
0xd6: {  	_ =	swait.ge [sflag:s17], $0x800  }
0xd7: {  	[sflag:s17] =	ssyncset.done $0x0  }
0xd8: {  	[sflag:s17] =	ssyncadd.s32 $0xFFFFF800  }
0xd9: {  	_ =	swait.ge [sflag:s17], $0x800  }
0xda: {  	[sflag:s17] =	ssyncset.done $0x0  }
0xdb: {  	[sflag:s17] =	ssyncadd.s32 $0xFFFFF800  }
0xdc: {  	s18 =	sadd.s32 $0x1, s18;
	_ =	swait.ge [sflag:s17], $0x800  }
0xdd: {  	p0 =	sne.s32 s18, s6;
	[sflag:s17] =	ssyncset.done $0x0  }
.Ltmp3:
0xde: {  	[sflag:s17] =	ssyncadd.s32 $0xFFFFF800;
	(pc) =	sbr.rel @p0 .LBB2_1-.Ltmp3, $4  }
0xdf: {  	[hbm4b:s5+s2] =	stream.linear.scatter [tilespmem:s10], [sflag:$0x2], $0x800, $0x38;
	[tilespmem:$0x6C00] =	vst v63  }
0xe0: {  	_ =	swait.ge [sflag:s9], $0x800  }
0xe1: {  	[sflag:s9] =	ssyncset.done $0x0  }
0xe2: {  	[sflag:s9] =	ssyncadd.s32 $0xFFFFF800  }
0xe3: {  	_ =	sfence.sel $0x180000  }
0xe4: {  	[bflag:$0x0] =	sbarrier.arrive $0xFFFF  }
0xe5: {  	p0 =	sne.s32 s1, $0x0;
	_ =	strace $0x90000047  }
0xe6: {  	s0 =	sadd.s32 @!p0 $0x100000, s0;
	[bflag:$0x2] =	sbarrier.arrive $0xFFFF  }
0xe7: {  	[sflag:s0] =	ssyncadd.tile.s32 @!p0 $0x1;
	_ =	shalt  }
.Lfunc_end2:
_tile_overlayer_lowered:
.L_overlay_start_2:
0xe8: {  	(tag) =	ssettag $0x2  }
0xe9: {  	s0 =	rddreg [dreg:$0x0];
	s2 =	stileid.u32  }
0xea: {  	s1 =	rddreg [dreg:$0x1];
	p0 =	sne.s32 s2, $0x0  }
0xeb: {  	s3 =	rddreg [dreg:$0x2];
	[bflag:$0x3] =	sbarrier.arrive $0xFFFF;
	s2 =	simm.s32 @!p0 $0x1C02  }
0xec: {  	[timem:s3], [sflag:s2] =	dma.local @!p0 [hbm:s0], s1  }
0xed: {  	s0 =	simm.s32 @!p0 $0x2  }
0xee: {  	_ =	swait.ge @!p0 [sflag:s0], s1  }
0xef: {  	s1 =	ssub.s32 @!p0 $0x0, s1;
	[sflag:s0] =	ssyncset.done @!p0 $0x0  }
0xf0: {  	[sflag:s0] =	ssyncadd.s32 @!p0 s1  }
0xf1: {  	[bflag:$0x3] =	sbarrier.arrive $0xFFFF  }
0xf2: {  	_ =	shalt  }

</sc_bundles>
